<compile_context>
chip_gen: v7x
topology: tpu7x:2x2x1
jax: 0.10.2.dev20260603
libtpu: 0.0.44.dev20260713+nightly
codegen_flags: <defaults>
</compile_context>

<pallas_src>
import functools

import jax
import jax.numpy as jnp
from jax import lax
from jax.experimental import pallas as pl
from jax.experimental.pallas import tpu as pltpu
from jax.experimental.pallas import tpu_sc as plsc

B = 16384
IN_C = 67
OUT_C = 73
NW = 32
CPW = B // NW
L = 16


NQ = 4
QW = CPW // NQ


def _sc_body(elev_t_hbm, tab_hbm, out_t_hbm, in_v, out_v, tab_v,
             sem_in, sem_out):
    wid = lax.axis_index("s") * 2 + lax.axis_index("c")
    base = wid * CPW

    def in_cp(q):
        return pltpu.make_async_copy(
            elev_t_hbm.at[:, pl.ds(base + q * QW, QW)],
            in_v.at[:, pl.ds(q * QW, QW)], sem_in)

    def out_cp(q):
        return pltpu.make_async_copy(
            out_v.at[:, pl.ds(q * QW, QW)],
            out_t_hbm.at[:, pl.ds(base + q * QW, QW)], sem_out)

    for q in range(NQ):
        in_cp(q).start()
    pltpu.sync_copy(tab_hbm, tab_v)

    def quarter(q, carry):
        in_cp(q).wait()

        @plsc.parallel_loop(0, QW // L, unroll=4)
        def chunk(j):
            sl = pl.ds(q * QW + j * L, L)
            idx = in_v[18, sl].astype(jnp.int32)
            for c in range(16):
                out_v[c, sl] = in_v[c, sl]
            out_v[16, sl] = in_v[17, sl]
            for c in range(17, 65):
                out_v[c, sl] = in_v[c + 2, sl]
            for e in range(8):
                out_v[65 + e, sl] = plsc.load_gather(
                    tab_v, [idx, jnp.full((L,), e, jnp.int32)])

        out_cp(q).start()
        return carry

    lax.fori_loop(0, NQ, quarter, 0)
    for q in range(NQ):
        out_cp(q).wait()


_sc_kernel = functools.partial(
    pl.kernel,
    out_type=jax.ShapeDtypeStruct((OUT_C, B), jnp.float32),
    mesh=plsc.VectorSubcoreMesh(core_axis_name="c", subcore_axis_name="s"),
    compiler_params=pltpu.CompilerParams(
        needs_layout_passes=False, use_tc_tiling_on_sc=True),
    scratch_types=[
        pltpu.VMEM((IN_C, CPW), jnp.float32),
        pltpu.VMEM((OUT_C, CPW), jnp.float32),
        pltpu.VMEM((4, 8), jnp.float32),
        pltpu.SemaphoreType.DMA,
        pltpu.SemaphoreType.DMA,
    ],
)(_sc_body)


@jax.jit
def kernel(elev_info, door_table, srv_dir_table):
    del srv_dir_table
    out_t = _sc_kernel(elev_info.T, door_table)
    return out_t.T

# --- scband reference (transcript-rebuilt; emitter-appended) ---
"""Pipeline reference for scband-elev-encoder2-69363721831145 (READ-ONLY COPY).

The authoritative reference and input builder live on the scoring server;
editing this copy changes nothing except your own understanding.
"""

import jax, jax.numpy as jnp
import numpy as np


def setup_inputs(seed: int = 0) -> dict:
    key = jax.random.key(seed)
    k1, k2, k3 = jax.random.split(key, 3)
    # elev_info: uniform [0,1) so that door_state.long() == 0, always in-range for the 4-row embedding
    elev_info = jax.random.uniform(k1, (16384, 67), dtype=jnp.float32)
    # learned parameters sized per __init__: nn.Embedding(4, 8) used in forward;
    # nn.Embedding(3, 8) exists but is unused in forward, included for completeness
    door_table = jax.random.normal(k2, (4, 8), dtype=jnp.float32)
    srv_dir_table = jax.random.normal(k3, (3, 8), dtype=jnp.float32)
    return {"elev_info": elev_info, "door_table": door_table, "srv_dir_table": srv_dir_table}


def reference(elev_info, door_table, srv_dir_table):
    # split([16, 1, 1, 1, 16, 16, 16], dim=-1)
    pos_vec = elev_info[..., 0:16]
    vol = elev_info[..., 16:17]
    dir_ = elev_info[..., 17:18]
    door_state = elev_info[..., 18:19]
    car_call = elev_info[..., 19:35]
    up_call = elev_info[..., 35:51]
    dn_call = elev_info[..., 51:67]
    # door_state.long() -> embedding lookup -> squeeze(dim=1)
    door_idx = jax.lax.stop_gradient(door_state).astype(jnp.int32)  # [B, 1]
    encode_door = jnp.take(door_table, door_idx, axis=0)  # [B, 1, 8]
    encode_door = jnp.squeeze(encode_door, axis=1)  # [B, 8]
    features = jnp.concatenate((pos_vec, dir_, car_call, up_call, dn_call, encode_door), axis=-1)
    return features

if __name__ == "__main__":
    import jax
    _d = setup_inputs()
    print(jax.jit(kernel)(*tuple(_d.values())))

</pallas_src>

<mosaic_0001>
#map = affine_map<(d0, d1) -> (0, 0)>
module attributes {stable_mosaic.version = 14 : i64} {
  func.func @_sc_body(%arg0: i32, %arg1: i32, %arg2: memref<67x16384xf32, #tpu.memory_space<hbm>>, %arg3: memref<4x8xf32, #tpu.memory_space<hbm>>, %arg4: memref<73x16384xf32, #tpu.memory_space<hbm>>, %arg5: memref<67x512xf32, #tpu.memory_space<vmem>>, %arg6: memref<73x512xf32, #tpu.memory_space<vmem>>, %arg7: memref<4x8xf32, #tpu.memory_space<vmem>>, %arg8: memref<!tpu.dma_semaphore, #tpu.memory_space<semaphore_mem>>, %arg9: memref<!tpu.dma_semaphore, #tpu.memory_space<semaphore_mem>>) attributes {dimension_semantics = [#tpu.dimension_semantics<core_parallel>, #tpu.dimension_semantics<subcore_parallel>], iteration_bounds = array<i64: 2, 16>, scalar_prefetch = 0 : i64, scratch_operands = 5 : i64, tpu.core_type = #tpu.core_type<sc_vector_subcore>, window_params = [{transform_indices = #map}, {transform_indices = #map}, {transform_indices = #map}]} {
    %mul3A = arith.constant 2 : i32
    %mul3A_0 = arith.muli %arg1, %mul3A : i32
    %add3A = arith.addi %mul3A_0, %arg0 : i32
    %mul3A_1 = arith.constant 512 : i32
    %mul3A_2 = arith.muli %add3A, %mul3A_1 : i32
    %add3A_3 = arith.constant 0 : i32
    %add3A_4 = arith.addi %mul3A_2, %add3A_3 : i32
    %dma_start3A = arith.constant 0 : i32
    %dma_start3A_5 = arith.constant 0 : i32
    %dma_start3A_6 = tpu.memref_slice %arg5[%dma_start3A, %dma_start3A_5] : memref<67x512xf32, #tpu.memory_space<vmem>> -> memref<67x128xf32, #tpu.memory_space<vmem>>
    %dma_start3A_7 = arith.constant 0 : i32
    %dma_start3A_8 = tpu.memref_slice %arg2[%dma_start3A_7, %add3A_4] : memref<67x16384xf32, #tpu.memory_space<hbm>> -> memref<67x128xf32, #tpu.memory_space<hbm>>
    %dma_start3A_9 = arith.constant 0 : i32
    %dma_start3A_10 = arith.constant 0 : i32
    %dma_start3A_11 = tpu.memref_slice %arg5[%dma_start3A_9, %dma_start3A_10] : memref<67x512xf32, #tpu.memory_space<vmem>> -> memref<67x128xf32, #tpu.memory_space<vmem>>
    %dma_start3A_12 = arith.constant 0 : i32
    %dma_start3A_13 = tpu.memref_slice %arg2[%dma_start3A_12, %add3A_4] : memref<67x16384xf32, #tpu.memory_space<hbm>> -> memref<67x128xf32, #tpu.memory_space<hbm>>
    tpu.enqueue_dma source(%dma_start3A_13 : memref<67x128xf32, #tpu.memory_space<hbm>>) target(%dma_start3A_11 : memref<67x128xf32, #tpu.memory_space<vmem>>) target_semaphore(%arg8 : memref<!tpu.dma_semaphore, #tpu.memory_space<semaphore_mem>>)
    %add3A_14 = arith.constant 128 : i32
    %add3A_15 = arith.addi %mul3A_2, %add3A_14 : i32
    %dma_start3A_16 = arith.constant 0 : i32
    %dma_start3A_17 = arith.constant 128 : i32
    %dma_start3A_18 = tpu.memref_slice %arg5[%dma_start3A_16, %dma_start3A_17] : memref<67x512xf32, #tpu.memory_space<vmem>> -> memref<67x128xf32, #tpu.memory_space<vmem>>
    %dma_start3A_19 = arith.constant 0 : i32
    %dma_start3A_20 = tpu.memref_slice %arg2[%dma_start3A_19, %add3A_15] : memref<67x16384xf32, #tpu.memory_space<hbm>> -> memref<67x128xf32, #tpu.memory_space<hbm>>
    %dma_start3A_21 = arith.constant 0 : i32
    %dma_start3A_22 = arith.constant 128 : i32
    %dma_start3A_23 = tpu.memref_slice %arg5[%dma_start3A_21, %dma_start3A_22] : memref<67x512xf32, #tpu.memory_space<vmem>> -> memref<67x128xf32, #tpu.memory_space<vmem>>
    %dma_start3A_24 = arith.constant 0 : i32
    %dma_start3A_25 = tpu.memref_slice %arg2[%dma_start3A_24, %add3A_15] : memref<67x16384xf32, #tpu.memory_space<hbm>> -> memref<67x128xf32, #tpu.memory_space<hbm>>
    tpu.enqueue_dma source(%dma_start3A_25 : memref<67x128xf32, #tpu.memory_space<hbm>>) target(%dma_start3A_23 : memref<67x128xf32, #tpu.memory_space<vmem>>) target_semaphore(%arg8 : memref<!tpu.dma_semaphore, #tpu.memory_space<semaphore_mem>>)
    %add3A_26 = arith.constant 256 : i32
    %add3A_27 = arith.addi %mul3A_2, %add3A_26 : i32
    %dma_start3A_28 = arith.constant 0 : i32
    %dma_start3A_29 = arith.constant 256 : i32
    %dma_start3A_30 = tpu.memref_slice %arg5[%dma_start3A_28, %dma_start3A_29] : memref<67x512xf32, #tpu.memory_space<vmem>> -> memref<67x128xf32, #tpu.memory_space<vmem>>
    %dma_start3A_31 = arith.constant 0 : i32
    %dma_start3A_32 = tpu.memref_slice %arg2[%dma_start3A_31, %add3A_27] : memref<67x16384xf32, #tpu.memory_space<hbm>> -> memref<67x128xf32, #tpu.memory_space<hbm>>
    %dma_start3A_33 = arith.constant 0 : i32
    %dma_start3A_34 = arith.constant 256 : i32
    %dma_start3A_35 = tpu.memref_slice %arg5[%dma_start3A_33, %dma_start3A_34] : memref<67x512xf32, #tpu.memory_space<vmem>> -> memref<67x128xf32, #tpu.memory_space<vmem>>
    %dma_start3A_36 = arith.constant 0 : i32
    %dma_start3A_37 = tpu.memref_slice %arg2[%dma_start3A_36, %add3A_27] : memref<67x16384xf32, #tpu.memory_space<hbm>> -> memref<67x128xf32, #tpu.memory_space<hbm>>
    tpu.enqueue_dma source(%dma_start3A_37 : memref<67x128xf32, #tpu.memory_space<hbm>>) target(%dma_start3A_35 : memref<67x128xf32, #tpu.memory_space<vmem>>) target_semaphore(%arg8 : memref<!tpu.dma_semaphore, #tpu.memory_space<semaphore_mem>>)
    %add3A_38 = arith.constant 384 : i32
    %add3A_39 = arith.addi %mul3A_2, %add3A_38 : i32
    %dma_start3A_40 = arith.constant 0 : i32
    %dma_start3A_41 = arith.constant 384 : i32
    %dma_start3A_42 = tpu.memref_slice %arg5[%dma_start3A_40, %dma_start3A_41] : memref<67x512xf32, #tpu.memory_space<vmem>> -> memref<67x128xf32, #tpu.memory_space<vmem>>
    %dma_start3A_43 = arith.constant 0 : i32
    %dma_start3A_44 = tpu.memref_slice %arg2[%dma_start3A_43, %add3A_39] : memref<67x16384xf32, #tpu.memory_space<hbm>> -> memref<67x128xf32, #tpu.memory_space<hbm>>
    %dma_start3A_45 = arith.constant 0 : i32
    %dma_start3A_46 = arith.constant 384 : i32
    %dma_start3A_47 = tpu.memref_slice %arg5[%dma_start3A_45, %dma_start3A_46] : memref<67x512xf32, #tpu.memory_space<vmem>> -> memref<67x128xf32, #tpu.memory_space<vmem>>
    %dma_start3A_48 = arith.constant 0 : i32
    %dma_start3A_49 = tpu.memref_slice %arg2[%dma_start3A_48, %add3A_39] : memref<67x16384xf32, #tpu.memory_space<hbm>> -> memref<67x128xf32, #tpu.memory_space<hbm>>
    tpu.enqueue_dma source(%dma_start3A_49 : memref<67x128xf32, #tpu.memory_space<hbm>>) target(%dma_start3A_47 : memref<67x128xf32, #tpu.memory_space<vmem>>) target_semaphore(%arg8 : memref<!tpu.dma_semaphore, #tpu.memory_space<semaphore_mem>>)
    "tpu.region"() ({
      %run_scoped3A = tpu.sem_alloc : memref<!tpu.dma_semaphore, #tpu.memory_space<semaphore_mem>>
      tpu.enqueue_dma source(%arg3 : memref<4x8xf32, #tpu.memory_space<hbm>>) target(%arg7 : memref<4x8xf32, #tpu.memory_space<vmem>>) target_semaphore(%run_scoped3A : memref<!tpu.dma_semaphore, #tpu.memory_space<semaphore_mem>>)
      tpu.wait_dma2 semaphore(%run_scoped3A : memref<!tpu.dma_semaphore, #tpu.memory_space<semaphore_mem>>) src(%arg3 : memref<4x8xf32, #tpu.memory_space<hbm>>) dst(%arg7 : memref<4x8xf32, #tpu.memory_space<vmem>>)
      tpu.yield
    }) : () -> ()
    %scan3A = arith.constant 0 : i32
    %scan3A_50 = arith.constant 0 : i32
    %scan3A_51 = arith.constant 4 : i32
    %scan3A_52 = arith.addi %scan3A_50, %scan3A_51 : i32
    %scan3A_53 = arith.constant 1 : i32
    scf.for %scan3A_102 = %scan3A_50 to %scan3A_52 step %scan3A_53  : i32 {
      %mul3A_103 = arith.constant 128 : i32
      %mul3A_104 = arith.muli %scan3A_102, %mul3A_103 : i32
      %add3A_105 = arith.addi %mul3A_2, %mul3A_104 : i32
      %mul3A_106 = arith.constant 128 : i32
      %mul3A_107 = arith.muli %scan3A_102, %mul3A_106 : i32
      %dma_wait3A_108 = arith.constant 0 : i32
      %dma_wait3A_109 = tpu.memref_slice %arg5[%dma_wait3A_108, %mul3A_107] : memref<67x512xf32, #tpu.memory_space<vmem>> -> memref<67x128xf32, #tpu.memory_space<vmem>>
      %dma_wait3A_110 = arith.constant 0 : i32
      %dma_wait3A_111 = tpu.memref_slice %arg2[%dma_wait3A_110, %add3A_105] : memref<67x16384xf32, #tpu.memory_space<hbm>> -> memref<67x128xf32, #tpu.memory_space<hbm>>
      %dma_wait3A_112 = arith.constant 0 : i32
      %dma_wait3A_113 = tpu.memref_slice %arg5[%dma_wait3A_112, %mul3A_107] : memref<67x512xf32, #tpu.memory_space<vmem>> -> memref<67x128xf32, #tpu.memory_space<vmem>>
      %dma_wait3A_114 = arith.constant 0 : i32
      %dma_wait3A_115 = tpu.memref_slice %arg2[%dma_wait3A_114, %add3A_105] : memref<67x16384xf32, #tpu.memory_space<hbm>> -> memref<67x128xf32, #tpu.memory_space<hbm>>
      tpu.wait_dma2 semaphore(%arg8 : memref<!tpu.dma_semaphore, #tpu.memory_space<semaphore_mem>>) src(%dma_wait3A_115 : memref<67x128xf32, #tpu.memory_space<hbm>>) dst(%dma_wait3A_113 : memref<67x128xf32, #tpu.memory_space<vmem>>)
      %parallel_loop3A = arith.constant 0 : i32
      %parallel_loop3A_116 = arith.constant 8 : i32
      %parallel_loop3A_117 = arith.constant 1 : i32
      scf.for %parallel_loop3A_131 = %parallel_loop3A to %parallel_loop3A_116 step %parallel_loop3A_117  : i32 {
        %parallel_loop3A_132 = arith.constant 128 : i32
        %parallel_loop3A_133 = arith.muli %scan3A_102, %parallel_loop3A_132 : i32
        %parallel_loop3A_134 = arith.constant 16 : i32
        %parallel_loop3A_135 = arith.muli %parallel_loop3A_131, %parallel_loop3A_134 : i32
        %parallel_loop3A_136 = arith.addi %parallel_loop3A_133, %parallel_loop3A_135 : i32
        %parallel_loop3A_137 = arith.constant 18 : i32
        %parallel_loop3A_138 = arith.index_cast %parallel_loop3A_137 : i32 to index
        %parallel_loop3A_139 = arith.index_cast %parallel_loop3A_136 : i32 to index
        %parallel_loop3A_140 = tpu.vector_load %arg5[%parallel_loop3A_138, %parallel_loop3A_139] {strides = array<i32>} : memref<67x512xf32, #tpu.memory_space<vmem>>, vector<16xf32>,
        %parallel_loop3A_141 = arith.fptosi %parallel_loop3A_140 : vector<16xf32> to vector<16xi32>
        %parallel_loop3A_142 = arith.constant 0 : i32
        %parallel_loop3A_143 = arith.index_cast %parallel_loop3A_142 : i32 to index
        %parallel_loop3A_144 = arith.index_cast %parallel_loop3A_136 : i32 to index
        %parallel_loop3A_145 = tpu.vector_load %arg5[%parallel_loop3A_143, %parallel_loop3A_144] {strides = array<i32>} : memref<67x512xf32, #tpu.memory_space<vmem>>, vector<16xf32>,
        %parallel_loop3A_146 = arith.constant 0 : i32
        %parallel_loop3A_147 = arith.index_cast %parallel_loop3A_146 : i32 to index
        %parallel_loop3A_148 = arith.index_cast %parallel_loop3A_136 : i32 to index
        %parallel_loop3A_149 = tpu.vector_load %arg6[%parallel_loop3A_147, %parallel_loop3A_148] {strides = array<i32>} : memref<73x512xf32, #tpu.memory_space<vmem>>, vector<16xf32>,
        tpu.vector_store %arg6[%parallel_loop3A_147, %parallel_loop3A_148], %parallel_loop3A_145 {strides = array<i32>} : memref<73x512xf32, #tpu.memory_space<vmem>>, vector<16xf32>,
        %parallel_loop3A_150 = arith.constant 1 : i32
        %parallel_loop3A_151 = arith.index_cast %parallel_loop3A_150 : i32 to index
        %parallel_loop3A_152 = arith.index_cast %parallel_loop3A_136 : i32 to index
        %parallel_loop3A_153 = tpu.vector_load %arg5[%parallel_loop3A_151, %parallel_loop3A_152] {strides = array<i32>} : memref<67x512xf32, #tpu.memory_space<vmem>>, vector<16xf32>,
        %parallel_loop3A_154 = arith.constant 1 : i32
        %parallel_loop3A_155 = arith.index_cast %parallel_loop3A_154 : i32 to index
        %parallel_loop3A_156 = arith.index_cast %parallel_loop3A_136 : i32 to index
        %parallel_loop3A_157 = tpu.vector_load %arg6[%parallel_loop3A_155, %parallel_loop3A_156] {strides = array<i32>} : memref<73x512xf32, #tpu.memory_space<vmem>>, vector<16xf32>,
        tpu.vector_store %arg6[%parallel_loop3A_155, %parallel_loop3A_156], %parallel_loop3A_153 {strides = array<i32>} : memref<73x512xf32, #tpu.memory_space<vmem>>, vector<16xf32>,
        %parallel_loop3A_158 = arith.constant 2 : i32
        %parallel_loop3A_159 = arith.index_cast %parallel_loop3A_158 : i32 to index
        %parallel_loop3A_160 = arith.index_cast %parallel_loop3A_136 : i32 to index
        %parallel_loop3A_161 = tpu.vector_load %arg5[%parallel_loop3A_159, %parallel_loop3A_160] {strides = array<i32>} : memref<67x512xf32, #tpu.memory_space<vmem>>, vector<16xf32>,
        %parallel_loop3A_162 = arith.constant 2 : i32
        %parallel_loop3A_163 = arith.index_cast %parallel_loop3A_162 : i32 to index
        %parallel_loop3A_164 = arith.index_cast %parallel_loop3A_136 : i32 to index
        %parallel_loop3A_165 = tpu.vector_load %arg6[%parallel_loop3A_163, %parallel_loop3A_164] {strides = array<i32>} : memref<73x512xf32, #tpu.memory_space<vmem>>, vector<16xf32>,
        tpu.vector_store %arg6[%parallel_loop3A_163, %parallel_loop3A_164], %parallel_loop3A_161 {strides = array<i32>} : memref<73x512xf32, #tpu.memory_space<vmem>>, vector<16xf32>,
        %parallel_loop3A_166 = arith.constant 3 : i32
        %parallel_loop3A_167 = arith.index_cast %parallel_loop3A_166 : i32 to index
        %parallel_loop3A_168 = arith.index_cast %parallel_loop3A_136 : i32 to index
        %parallel_loop3A_169 = tpu.vector_load %arg5[%parallel_loop3A_167, %parallel_loop3A_168] {strides = array<i32>} : memref<67x512xf32, #tpu.memory_space<vmem>>, vector<16xf32>,
        %parallel_loop3A_170 = arith.constant 3 : i32
        %parallel_loop3A_171 = arith.index_cast %parallel_loop3A_170 : i32 to index
        %parallel_loop3A_172 = arith.index_cast %parallel_loop3A_136 : i32 to index
        %parallel_loop3A_173 = tpu.vector_load %arg6[%parallel_loop3A_171, %parallel_loop3A_172] {strides = array<i32>} : memref<73x512xf32, #tpu.memory_space<vmem>>, vector<16xf32>,
        tpu.vector_store %arg6[%parallel_loop3A_171, %parallel_loop3A_172], %parallel_loop3A_169 {strides = array<i32>} : memref<73x512xf32, #tpu.memory_space<vmem>>, vector<16xf32>,
        %parallel_loop3A_174 = arith.constant 4 : i32
        %parallel_loop3A_175 = arith.index_cast %parallel_loop3A_174 : i32 to index
        %parallel_loop3A_176 = arith.index_cast %parallel_loop3A_136 : i32 to index
        %parallel_loop3A_177 = tpu.vector_load %arg5[%parallel_loop3A_175, %parallel_loop3A_176] {strides = array<i32>} : memref<67x512xf32, #tpu.memory_space<vmem>>, vector<16xf32>,
        %parallel_loop3A_178 = arith.constant 4 : i32
        %parallel_loop3A_179 = arith.index_cast %parallel_loop3A_178 : i32 to index
        %parallel_loop3A_180 = arith.index_cast %parallel_loop3A_136 : i32 to index
        %parallel_loop3A_181 = tpu.vector_load %arg6[%parallel_loop3A_179, %parallel_loop3A_180] {strides = array<i32>} : memref<73x512xf32, #tpu.memory_space<vmem>>, vector<16xf32>,
        tpu.vector_store %arg6[%parallel_loop3A_179, %parallel_loop3A_180], %parallel_loop3A_177 {strides = array<i32>} : memref<73x512xf32, #tpu.memory_space<vmem>>, vector<16xf32>,
        %parallel_loop3A_182 = arith.constant 5 : i32
        %parallel_loop3A_183 = arith.index_cast %parallel_loop3A_182 : i32 to index
        %parallel_loop3A_184 = arith.index_cast %parallel_loop3A_136 : i32 to index
        %parallel_loop3A_185 = tpu.vector_load %arg5[%parallel_loop3A_183, %parallel_loop3A_184] {strides = array<i32>} : memref<67x512xf32, #tpu.memory_space<vmem>>, vector<16xf32>,
        %parallel_loop3A_186 = arith.constant 5 : i32
        %parallel_loop3A_187 = arith.index_cast %parallel_loop3A_186 : i32 to index
        %parallel_loop3A_188 = arith.index_cast %parallel_loop3A_136 : i32 to index
        %parallel_loop3A_189 = tpu.vector_load %arg6[%parallel_loop3A_187, %parallel_loop3A_188] {strides = array<i32>} : memref<73x512xf32, #tpu.memory_space<vmem>>, vector<16xf32>,
        tpu.vector_store %arg6[%parallel_loop3A_187, %parallel_loop3A_188], %parallel_loop3A_185 {strides = array<i32>} : memref<73x512xf32, #tpu.memory_space<vmem>>, vector<16xf32>,
        %parallel_loop3A_190 = arith.constant 6 : i32
        %parallel_loop3A_191 = arith.index_cast %parallel_loop3A_190 : i32 to index
        %parallel_loop3A_192 = arith.index_cast %parallel_loop3A_136 : i32 to index
        %parallel_loop3A_193 = tpu.vector_load %arg5[%parallel_loop3A_191, %parallel_loop3A_192] {strides = array<i32>} : memref<67x512xf32, #tpu.memory_space<vmem>>, vector<16xf32>,
        %parallel_loop3A_194 = arith.constant 6 : i32
        %parallel_loop3A_195 = arith.index_cast %parallel_loop3A_194 : i32 to index
        %parallel_loop3A_196 = arith.index_cast %parallel_loop3A_136 : i32 to index
        %parallel_loop3A_197 = tpu.vector_load %arg6[%parallel_loop3A_195, %parallel_loop3A_196] {strides = array<i32>} : memref<73x512xf32, #tpu.memory_space<vmem>>, vector<16xf32>,
        tpu.vector_store %arg6[%parallel_loop3A_195, %parallel_loop3A_196], %parallel_loop3A_193 {strides = array<i32>} : memref<73x512xf32, #tpu.memory_space<vmem>>, vector<16xf32>,
        %parallel_loop3A_198 = arith.constant 7 : i32
        %parallel_loop3A_199 = arith.index_cast %parallel_loop3A_198 : i32 to index
        %parallel_loop3A_200 = arith.index_cast %parallel_loop3A_136 : i32 to index
        %parallel_loop3A_201 = tpu.vector_load %arg5[%parallel_loop3A_199, %parallel_loop3A_200] {strides = array<i32>} : memref<67x512xf32, #tpu.memory_space<vmem>>, vector<16xf32>,
        %parallel_loop3A_202 = arith.constant 7 : i32
        %parallel_loop3A_203 = arith.index_cast %parallel_loop3A_202 : i32 to index
        %parallel_loop3A_204 = arith.index_cast %parallel_loop3A_136 : i32 to index
        %parallel_loop3A_205 = tpu.vector_load %arg6[%parallel_loop3A_203, %parallel_loop3A_204] {strides = array<i32>} : memref<73x512xf32, #tpu.memory_space<vmem>>, vector<16xf32>,
        tpu.vector_store %arg6[%parallel_loop3A_203, %parallel_loop3A_204], %parallel_loop3A_201 {strides = array<i32>} : memref<73x512xf32, #tpu.memory_space<vmem>>, vector<16xf32>,
        %parallel_loop3A_206 = arith.constant 8 : i32
        %parallel_loop3A_207 = arith.index_cast %parallel_loop3A_206 : i32 to index
        %parallel_loop3A_208 = arith.index_cast %parallel_loop3A_136 : i32 to index
        %parallel_loop3A_209 = tpu.vector_load %arg5[%parallel_loop3A_207, %parallel_loop3A_208] {strides = array<i32>} : memref<67x512xf32, #tpu.memory_space<vmem>>, vector<16xf32>,
        %parallel_loop3A_210 = arith.constant 8 : i32
        %parallel_loop3A_211 = arith.index_cast %parallel_loop3A_210 : i32 to index
        %parallel_loop3A_212 = arith.index_cast %parallel_loop3A_136 : i32 to index
        %parallel_loop3A_213 = tpu.vector_load %arg6[%parallel_loop3A_211, %parallel_loop3A_212] {strides = array<i32>} : memref<73x512xf32, #tpu.memory_space<vmem>>, vector<16xf32>,
        tpu.vector_store %arg6[%parallel_loop3A_211, %parallel_loop3A_212], %parallel_loop3A_209 {strides = array<i32>} : memref<73x512xf32, #tpu.memory_space<vmem>>, vector<16xf32>,
        %parallel_loop3A_214 = arith.constant 9 : i32
        %parallel_loop3A_215 = arith.index_cast %parallel_loop3A_214 : i32 to index
        %parallel_loop3A_216 = arith.index_cast %parallel_loop3A_136 : i32 to index
        %parallel_loop3A_217 = tpu.vector_load %arg5[%parallel_loop3A_215, %parallel_loop3A_216] {strides = array<i32>} : memref<67x512xf32, #tpu.memory_space<vmem>>, vector<16xf32>,
        %parallel_loop3A_218 = arith.constant 9 : i32
        %parallel_loop3A_219 = arith.index_cast %parallel_loop3A_218 : i32 to index
        %parallel_loop3A_220 = arith.index_cast %parallel_loop3A_136 : i32 to index
        %parallel_loop3A_221 = tpu.vector_load %arg6[%parallel_loop3A_219, %parallel_loop3A_220] {strides = array<i32>} : memref<73x512xf32, #tpu.memory_space<vmem>>, vector<16xf32>,
        tpu.vector_store %arg6[%parallel_loop3A_219, %parallel_loop3A_220], %parallel_loop3A_217 {strides = array<i32>} : memref<73x512xf32, #tpu.memory_space<vmem>>, vector<16xf32>,
        %parallel_loop3A_222 = arith.constant 10 : i32
        %parallel_loop3A_223 = arith.index_cast %parallel_loop3A_222 : i32 to index
        %parallel_loop3A_224 = arith.index_cast %parallel_loop3A_136 : i32 to index
        %parallel_loop3A_225 = tpu.vector_load %arg5[%parallel_loop3A_223, %parallel_loop3A_224] {strides = array<i32>} : memref<67x512xf32, #tpu.memory_space<vmem>>, vector<16xf32>,
        %parallel_loop3A_226 = arith.constant 10 : i32
        %parallel_loop3A_227 = arith.index_cast %parallel_loop3A_226 : i32 to index
        %parallel_loop3A_228 = arith.index_cast %parallel_loop3A_136 : i32 to index
        %parallel_loop3A_229 = tpu.vector_load %arg6[%parallel_loop3A_227, %parallel_loop3A_228] {strides = array<i32>} : memref<73x512xf32, #tpu.memory_space<vmem>>, vector<16xf32>,
        tpu.vector_store %arg6[%parallel_loop3A_227, %parallel_loop3A_228], %parallel_loop3A_225 {strides = array<i32>} : memref<73x512xf32, #tpu.memory_space<vmem>>, vector<16xf32>,
        %parallel_loop3A_230 = arith.constant 11 : i32
        %parallel_loop3A_231 = arith.index_cast %parallel_loop3A_230 : i32 to index
        %parallel_loop3A_232 = arith.index_cast %parallel_loop3A_136 : i32 to index
        %parallel_loop3A_233 = tpu.vector_load %arg5[%parallel_loop3A_231, %parallel_loop3A_232] {strides = array<i32>} : memref<67x512xf32, #tpu.memory_space<vmem>>, vector<16xf32>,
        %parallel_loop3A_234 = arith.constant 11 : i32
        %parallel_loop3A_235 = arith.index_cast %parallel_loop3A_234 : i32 to index
        %parallel_loop3A_236 = arith.index_cast %parallel_loop3A_136 : i32 to index
        %parallel_loop3A_237 = tpu.vector_load %arg6[%parallel_loop3A_235, %parallel_loop3A_236] {strides = array<i32>} : memref<73x512xf32, #tpu.memory_space<vmem>>, vector<16xf32>,
        tpu.vector_store %arg6[%parallel_loop3A_235, %parallel_loop3A_236], %parallel_loop3A_233 {strides = array<i32>} : memref<73x512xf32, #tpu.memory_space<vmem>>, vector<16xf32>,
        %parallel_loop3A_238 = arith.constant 12 : i32
        %parallel_loop3A_239 = arith.index_cast %parallel_loop3A_238 : i32 to index
        %parallel_loop3A_240 = arith.index_cast %parallel_loop3A_136 : i32 to index
        %parallel_loop3A_241 = tpu.vector_load %arg5[%parallel_loop3A_239, %parallel_loop3A_240] {strides = array<i32>} : memref<67x512xf32, #tpu.memory_space<vmem>>, vector<16xf32>,
        %parallel_loop3A_242 = arith.constant 12 : i32
        %parallel_loop3A_243 = arith.index_cast %parallel_loop3A_242 : i32 to index
        %parallel_loop3A_244 = arith.index_cast %parallel_loop3A_136 : i32 to index
        %parallel_loop3A_245 = tpu.vector_load %arg6[%parallel_loop3A_243, %parallel_loop3A_244] {strides = array<i32>} : memref<73x512xf32, #tpu.memory_space<vmem>>, vector<16xf32>,
        tpu.vector_store %arg6[%parallel_loop3A_243, %parallel_loop3A_244], %parallel_loop3A_241 {strides = array<i32>} : memref<73x512xf32, #tpu.memory_space<vmem>>, vector<16xf32>,
        %parallel_loop3A_246 = arith.constant 13 : i32
        %parallel_loop3A_247 = arith.index_cast %parallel_loop3A_246 : i32 to index
        %parallel_loop3A_248 = arith.index_cast %parallel_loop3A_136 : i32 to index
        %parallel_loop3A_249 = tpu.vector_load %arg5[%parallel_loop3A_247, %parallel_loop3A_248] {strides = array<i32>} : memref<67x512xf32, #tpu.memory_space<vmem>>, vector<16xf32>,
        %parallel_loop3A_250 = arith.constant 13 : i32
        %parallel_loop3A_251 = arith.index_cast %parallel_loop3A_250 : i32 to index
        %parallel_loop3A_252 = arith.index_cast %parallel_loop3A_136 : i32 to index
        %parallel_loop3A_253 = tpu.vector_load %arg6[%parallel_loop3A_251, %parallel_loop3A_252] {strides = array<i32>} : memref<73x512xf32, #tpu.memory_space<vmem>>, vector<16xf32>,
        tpu.vector_store %arg6[%parallel_loop3A_251, %parallel_loop3A_252], %parallel_loop3A_249 {strides = array<i32>} : memref<73x512xf32, #tpu.memory_space<vmem>>, vector<16xf32>,
        %parallel_loop3A_254 = arith.constant 14 : i32
        %parallel_loop3A_255 = arith.index_cast %parallel_loop3A_254 : i32 to index
        %parallel_loop3A_256 = arith.index_cast %parallel_loop3A_136 : i32 to index
        %parallel_loop3A_257 = tpu.vector_load %arg5[%parallel_loop3A_255, %parallel_loop3A_256] {strides = array<i32>} : memref<67x512xf32, #tpu.memory_space<vmem>>, vector<16xf32>,
        %parallel_loop3A_258 = arith.constant 14 : i32
        %parallel_loop3A_259 = arith.index_cast %parallel_loop3A_258 : i32 to index
        %parallel_loop3A_260 = arith.index_cast %parallel_loop3A_136 : i32 to index
        %parallel_loop3A_261 = tpu.vector_load %arg6[%parallel_loop3A_259, %parallel_loop3A_260] {strides = array<i32>} : memref<73x512xf32, #tpu.memory_space<vmem>>, vector<16xf32>,
        tpu.vector_store %arg6[%parallel_loop3A_259, %parallel_loop3A_260], %parallel_loop3A_257 {strides = array<i32>} : memref<73x512xf32, #tpu.memory_space<vmem>>, vector<16xf32>,
        %parallel_loop3A_262 = arith.constant 15 : i32
        %parallel_loop3A_263 = arith.index_cast %parallel_loop3A_262 : i32 to index
        %parallel_loop3A_264 = arith.index_cast %parallel_loop3A_136 : i32 to index
        %parallel_loop3A_265 = tpu.vector_load %arg5[%parallel_loop3A_263, %parallel_loop3A_264] {strides = array<i32>} : memref<67x512xf32, #tpu.memory_space<vmem>>, vector<16xf32>,
        %parallel_loop3A_266 = arith.constant 15 : i32
        %parallel_loop3A_267 = arith.index_cast %parallel_loop3A_266 : i32 to index
        %parallel_loop3A_268 = arith.index_cast %parallel_loop3A_136 : i32 to index
        %parallel_loop3A_269 = tpu.vector_load %arg6[%parallel_loop3A_267, %parallel_loop3A_268] {strides = array<i32>} : memref<73x512xf32, #tpu.memory_space<vmem>>, vector<16xf32>,
        tpu.vector_store %arg6[%parallel_loop3A_267, %parallel_loop3A_268], %parallel_loop3A_265 {strides = array<i32>} : memref<73x512xf32, #tpu.memory_space<vmem>>, vector<16xf32>,
        %parallel_loop3A_270 = arith.constant 17 : i32
        %parallel_loop3A_271 = arith.index_cast %parallel_loop3A_270 : i32 to index
        %parallel_loop3A_272 = arith.index_cast %parallel_loop3A_136 : i32 to index
        %parallel_loop3A_273 = tpu.vector_load %arg5[%parallel_loop3A_271, %parallel_loop3A_272] {strides = array<i32>} : memref<67x512xf32, #tpu.memory_space<vmem>>, vector<16xf32>,
        %parallel_loop3A_274 = arith.constant 16 : i32
        %parallel_loop3A_275 = arith.index_cast %parallel_loop3A_274 : i32 to index
        %parallel_loop3A_276 = arith.index_cast %parallel_loop3A_136 : i32 to index
        %parallel_loop3A_277 = tpu.vector_load %arg6[%parallel_loop3A_275, %parallel_loop3A_276] {strides = array<i32>} : memref<73x512xf32, #tpu.memory_space<vmem>>, vector<16xf32>,
        tpu.vector_store %arg6[%parallel_loop3A_275, %parallel_loop3A_276], %parallel_loop3A_273 {strides = array<i32>} : memref<73x512xf32, #tpu.memory_space<vmem>>, vector<16xf32>,
        %parallel_loop3A_278 = arith.constant 19 : i32
        %parallel_loop3A_279 = arith.index_cast %parallel_loop3A_278 : i32 to index
        %parallel_loop3A_280 = arith.index_cast %parallel_loop3A_136 : i32 to index
        %parallel_loop3A_281 = tpu.vector_load %arg5[%parallel_loop3A_279, %parallel_loop3A_280] {strides = array<i32>} : memref<67x512xf32, #tpu.memory_space<vmem>>, vector<16xf32>,
        %parallel_loop3A_282 = arith.constant 17 : i32
        %parallel_loop3A_283 = arith.index_cast %parallel_loop3A_282 : i32 to index
        %parallel_loop3A_284 = arith.index_cast %parallel_loop3A_136 : i32 to index
        %parallel_loop3A_285 = tpu.vector_load %arg6[%parallel_loop3A_283, %parallel_loop3A_284] {strides = array<i32>} : memref<73x512xf32, #tpu.memory_space<vmem>>, vector<16xf32>,
        tpu.vector_store %arg6[%parallel_loop3A_283, %parallel_loop3A_284], %parallel_loop3A_281 {strides = array<i32>} : memref<73x512xf32, #tpu.memory_space<vmem>>, vector<16xf32>,
        %parallel_loop3A_286 = arith.constant 20 : i32
        %parallel_loop3A_287 = arith.index_cast %parallel_loop3A_286 : i32 to index
        %parallel_loop3A_288 = arith.index_cast %parallel_loop3A_136 : i32 to index
        %parallel_loop3A_289 = tpu.vector_load %arg5[%parallel_loop3A_287, %parallel_loop3A_288] {strides = array<i32>} : memref<67x512xf32, #tpu.memory_space<vmem>>, vector<16xf32>,
        %parallel_loop3A_290 = arith.constant 18 : i32
        %parallel_loop3A_291 = arith.index_cast %parallel_loop3A_290 : i32 to index
        %parallel_loop3A_292 = arith.index_cast %parallel_loop3A_136 : i32 to index
        %parallel_loop3A_293 = tpu.vector_load %arg6[%parallel_loop3A_291, %parallel_loop3A_292] {strides = array<i32>} : memref<73x512xf32, #tpu.memory_space<vmem>>, vector<16xf32>,
        tpu.vector_store %arg6[%parallel_loop3A_291, %parallel_loop3A_292], %parallel_loop3A_289 {strides = array<i32>} : memref<73x512xf32, #tpu.memory_space<vmem>>, vector<16xf32>,
        %parallel_loop3A_294 = arith.constant 21 : i32
        %parallel_loop3A_295 = arith.index_cast %parallel_loop3A_294 : i32 to index
        %parallel_loop3A_296 = arith.index_cast %parallel_loop3A_136 : i32 to index
        %parallel_loop3A_297 = tpu.vector_load %arg5[%parallel_loop3A_295, %parallel_loop3A_296] {strides = array<i32>} : memref<67x512xf32, #tpu.memory_space<vmem>>, vector<16xf32>,
        %parallel_loop3A_298 = arith.constant 19 : i32
        %parallel_loop3A_299 = arith.index_cast %parallel_loop3A_298 : i32 to index
        %parallel_loop3A_300 = arith.index_cast %parallel_loop3A_136 : i32 to index
        %parallel_loop3A_301 = tpu.vector_load %arg6[%parallel_loop3A_299, %parallel_loop3A_300] {strides = array<i32>} : memref<73x512xf32, #tpu.memory_space<vmem>>, vector<16xf32>,
        tpu.vector_store %arg6[%parallel_loop3A_299, %parallel_loop3A_300], %parallel_loop3A_297 {strides = array<i32>} : memref<73x512xf32, #tpu.memory_space<vmem>>, vector<16xf32>,
        %parallel_loop3A_302 = arith.constant 22 : i32
        %parallel_loop3A_303 = arith.index_cast %parallel_loop3A_302 : i32 to index
        %parallel_loop3A_304 = arith.index_cast %parallel_loop3A_136 : i32 to index
        %parallel_loop3A_305 = tpu.vector_load %arg5[%parallel_loop3A_303, %parallel_loop3A_304] {strides = array<i32>} : memref<67x512xf32, #tpu.memory_space<vmem>>, vector<16xf32>,
        %parallel_loop3A_306 = arith.constant 20 : i32
        %parallel_loop3A_307 = arith.index_cast %parallel_loop3A_306 : i32 to index
        %parallel_loop3A_308 = arith.index_cast %parallel_loop3A_136 : i32 to index
        %parallel_loop3A_309 = tpu.vector_load %arg6[%parallel_loop3A_307, %parallel_loop3A_308] {strides = array<i32>} : memref<73x512xf32, #tpu.memory_space<vmem>>, vector<16xf32>,
        tpu.vector_store %arg6[%parallel_loop3A_307, %parallel_loop3A_308], %parallel_loop3A_305 {strides = array<i32>} : memref<73x512xf32, #tpu.memory_space<vmem>>, vector<16xf32>,
        %parallel_loop3A_310 = arith.constant 23 : i32
        %parallel_loop3A_311 = arith.index_cast %parallel_loop3A_310 : i32 to index
        %parallel_loop3A_312 = arith.index_cast %parallel_loop3A_136 : i32 to index
        %parallel_loop3A_313 = tpu.vector_load %arg5[%parallel_loop3A_311, %parallel_loop3A_312] {strides = array<i32>} : memref<67x512xf32, #tpu.memory_space<vmem>>, vector<16xf32>,
        %parallel_loop3A_314 = arith.constant 21 : i32
        %parallel_loop3A_315 = arith.index_cast %parallel_loop3A_314 : i32 to index
        %parallel_loop3A_316 = arith.index_cast %parallel_loop3A_136 : i32 to index
        %parallel_loop3A_317 = tpu.vector_load %arg6[%parallel_loop3A_315, %parallel_loop3A_316] {strides = array<i32>} : memref<73x512xf32, #tpu.memory_space<vmem>>, vector<16xf32>,
        tpu.vector_store %arg6[%parallel_loop3A_315, %parallel_loop3A_316], %parallel_loop3A_313 {strides = array<i32>} : memref<73x512xf32, #tpu.memory_space<vmem>>, vector<16xf32>,
        %parallel_loop3A_318 = arith.constant 24 : i32
        %parallel_loop3A_319 = arith.index_cast %parallel_loop3A_318 : i32 to index
        %parallel_loop3A_320 = arith.index_cast %parallel_loop3A_136 : i32 to index
        %parallel_loop3A_321 = tpu.vector_load %arg5[%parallel_loop3A_319, %parallel_loop3A_320] {strides = array<i32>} : memref<67x512xf32, #tpu.memory_space<vmem>>, vector<16xf32>,
        %parallel_loop3A_322 = arith.constant 22 : i32
        %parallel_loop3A_323 = arith.index_cast %parallel_loop3A_322 : i32 to index
        %parallel_loop3A_324 = arith.index_cast %parallel_loop3A_136 : i32 to index
        %parallel_loop3A_325 = tpu.vector_load %arg6[%parallel_loop3A_323, %parallel_loop3A_324] {strides = array<i32>} : memref<73x512xf32, #tpu.memory_space<vmem>>, vector<16xf32>,
        tpu.vector_store %arg6[%parallel_loop3A_323, %parallel_loop3A_324], %parallel_loop3A_321 {strides = array<i32>} : memref<73x512xf32, #tpu.memory_space<vmem>>, vector<16xf32>,
        %parallel_loop3A_326 = arith.constant 25 : i32
        %parallel_loop3A_327 = arith.index_cast %parallel_loop3A_326 : i32 to index
        %parallel_loop3A_328 = arith.index_cast %parallel_loop3A_136 : i32 to index
        %parallel_loop3A_329 = tpu.vector_load %arg5[%parallel_loop3A_327, %parallel_loop3A_328] {strides = array<i32>} : memref<67x512xf32, #tpu.memory_space<vmem>>, vector<16xf32>,
        %parallel_loop3A_330 = arith.constant 23 : i32
        %parallel_loop3A_331 = arith.index_cast %parallel_loop3A_330 : i32 to index
        %parallel_loop3A_332 = arith.index_cast %parallel_loop3A_136 : i32 to index
        %parallel_loop3A_333 = tpu.vector_load %arg6[%parallel_loop3A_331, %parallel_loop3A_332] {strides = array<i32>} : memref<73x512xf32, #tpu.memory_space<vmem>>, vector<16xf32>,
        tpu.vector_store %arg6[%parallel_loop3A_331, %parallel_loop3A_332], %parallel_loop3A_329 {strides = array<i32>} : memref<73x512xf32, #tpu.memory_space<vmem>>, vector<16xf32>,
        %parallel_loop3A_334 = arith.constant 26 : i32
        %parallel_loop3A_335 = arith.index_cast %parallel_loop3A_334 : i32 to index
        %parallel_loop3A_336 = arith.index_cast %parallel_loop3A_136 : i32 to index
        %parallel_loop3A_337 = tpu.vector_load %arg5[%parallel_loop3A_335, %parallel_loop3A_336] {strides = array<i32>} : memref<67x512xf32, #tpu.memory_space<vmem>>, vector<16xf32>,
        %parallel_loop3A_338 = arith.constant 24 : i32
        %parallel_loop3A_339 = arith.index_cast %parallel_loop3A_338 : i32 to index
        %parallel_loop3A_340 = arith.index_cast %parallel_loop3A_136 : i32 to index
        %parallel_loop3A_341 = tpu.vector_load %arg6[%parallel_loop3A_339, %parallel_loop3A_340] {strides = array<i32>} : memref<73x512xf32, #tpu.memory_space<vmem>>, vector<16xf32>,
        tpu.vector_store %arg6[%parallel_loop3A_339, %parallel_loop3A_340], %parallel_loop3A_337 {strides = array<i32>} : memref<73x512xf32, #tpu.memory_space<vmem>>, vector<16xf32>,
        %parallel_loop3A_342 = arith.constant 27 : i32
        %parallel_loop3A_343 = arith.index_cast %parallel_loop3A_342 : i32 to index
        %parallel_loop3A_344 = arith.index_cast %parallel_loop3A_136 : i32 to index
        %parallel_loop3A_345 = tpu.vector_load %arg5[%parallel_loop3A_343, %parallel_loop3A_344] {strides = array<i32>} : memref<67x512xf32, #tpu.memory_space<vmem>>, vector<16xf32>,
        %parallel_loop3A_346 = arith.constant 25 : i32
        %parallel_loop3A_347 = arith.index_cast %parallel_loop3A_346 : i32 to index
        %parallel_loop3A_348 = arith.index_cast %parallel_loop3A_136 : i32 to index
        %parallel_loop3A_349 = tpu.vector_load %arg6[%parallel_loop3A_347, %parallel_loop3A_348] {strides = array<i32>} : memref<73x512xf32, #tpu.memory_space<vmem>>, vector<16xf32>,
        tpu.vector_store %arg6[%parallel_loop3A_347, %parallel_loop3A_348], %parallel_loop3A_345 {strides = array<i32>} : memref<73x512xf32, #tpu.memory_space<vmem>>, vector<16xf32>,
        %parallel_loop3A_350 = arith.constant 28 : i32
        %parallel_loop3A_351 = arith.index_cast %parallel_loop3A_350 : i32 to index
        %parallel_loop3A_352 = arith.index_cast %parallel_loop3A_136 : i32 to index
        %parallel_loop3A_353 = tpu.vector_load %arg5[%parallel_loop3A_351, %parallel_loop3A_352] {strides = array<i32>} : memref<67x512xf32, #tpu.memory_space<vmem>>, vector<16xf32>,
        %parallel_loop3A_354 = arith.constant 26 : i32
        %parallel_loop3A_355 = arith.index_cast %parallel_loop3A_354 : i32 to index
        %parallel_loop3A_356 = arith.index_cast %parallel_loop3A_136 : i32 to index
        %parallel_loop3A_357 = tpu.vector_load %arg6[%parallel_loop3A_355, %parallel_loop3A_356] {strides = array<i32>} : memref<73x512xf32, #tpu.memory_space<vmem>>, vector<16xf32>,
        tpu.vector_store %arg6[%parallel_loop3A_355, %parallel_loop3A_356], %parallel_loop3A_353 {strides = array<i32>} : memref<73x512xf32, #tpu.memory_space<vmem>>, vector<16xf32>,
        %parallel_loop3A_358 = arith.constant 29 : i32
        %parallel_loop3A_359 = arith.index_cast %parallel_loop3A_358 : i32 to index
        %parallel_loop3A_360 = arith.index_cast %parallel_loop3A_136 : i32 to index
        %parallel_loop3A_361 = tpu.vector_load %arg5[%parallel_loop3A_359, %parallel_loop3A_360] {strides = array<i32>} : memref<67x512xf32, #tpu.memory_space<vmem>>, vector<16xf32>,
        %parallel_loop3A_362 = arith.constant 27 : i32
        %parallel_loop3A_363 = arith.index_cast %parallel_loop3A_362 : i32 to index
        %parallel_loop3A_364 = arith.index_cast %parallel_loop3A_136 : i32 to index
        %parallel_loop3A_365 = tpu.vector_load %arg6[%parallel_loop3A_363, %parallel_loop3A_364] {strides = array<i32>} : memref<73x512xf32, #tpu.memory_space<vmem>>, vector<16xf32>,
        tpu.vector_store %arg6[%parallel_loop3A_363, %parallel_loop3A_364], %parallel_loop3A_361 {strides = array<i32>} : memref<73x512xf32, #tpu.memory_space<vmem>>, vector<16xf32>,
        %parallel_loop3A_366 = arith.constant 30 : i32
        %parallel_loop3A_367 = arith.index_cast %parallel_loop3A_366 : i32 to index
        %parallel_loop3A_368 = arith.index_cast %parallel_loop3A_136 : i32 to index
        %parallel_loop3A_369 = tpu.vector_load %arg5[%parallel_loop3A_367, %parallel_loop3A_368] {strides = array<i32>} : memref<67x512xf32, #tpu.memory_space<vmem>>, vector<16xf32>,
        %parallel_loop3A_370 = arith.constant 28 : i32
        %parallel_loop3A_371 = arith.index_cast %parallel_loop3A_370 : i32 to index
        %parallel_loop3A_372 = arith.index_cast %parallel_loop3A_136 : i32 to index
        %parallel_loop3A_373 = tpu.vector_load %arg6[%parallel_loop3A_371, %parallel_loop3A_372] {strides = array<i32>} : memref<73x512xf32, #tpu.memory_space<vmem>>, vector<16xf32>,
        tpu.vector_store %arg6[%parallel_loop3A_371, %parallel_loop3A_372], %parallel_loop3A_369 {strides = array<i32>} : memref<73x512xf32, #tpu.memory_space<vmem>>, vector<16xf32>,
        %parallel_loop3A_374 = arith.constant 31 : i32
        %parallel_loop3A_375 = arith.index_cast %parallel_loop3A_374 : i32 to index
        %parallel_loop3A_376 = arith.index_cast %parallel_loop3A_136 : i32 to index
        %parallel_loop3A_377 = tpu.vector_load %arg5[%parallel_loop3A_375, %parallel_loop3A_376] {strides = array<i32>} : memref<67x512xf32, #tpu.memory_space<vmem>>, vector<16xf32>,
        %parallel_loop3A_378 = arith.constant 29 : i32
        %parallel_loop3A_379 = arith.index_cast %parallel_loop3A_378 : i32 to index
        %parallel_loop3A_380 = arith.index_cast %parallel_loop3A_136 : i32 to index
        %parallel_loop3A_381 = tpu.vector_load %arg6[%parallel_loop3A_379, %parallel_loop3A_380] {strides = array<i32>} : memref<73x512xf32, #tpu.memory_space<vmem>>, vector<16xf32>,
        tpu.vector_store %arg6[%parallel_loop3A_379, %parallel_loop3A_380], %parallel_loop3A_377 {strides = array<i32>} : memref<73x512xf32, #tpu.memory_space<vmem>>, vector<16xf32>,
        %parallel_loop3A_382 = arith.constant 32 : i32
        %parallel_loop3A_383 = arith.index_cast %parallel_loop3A_382 : i32 to index
        %parallel_loop3A_384 = arith.index_cast %parallel_loop3A_136 : i32 to index
        %parallel_loop3A_385 = tpu.vector_load %arg5[%parallel_loop3A_383, %parallel_loop3A_384] {strides = array<i32>} : memref<67x512xf32, #tpu.memory_space<vmem>>, vector<16xf32>,
        %parallel_loop3A_386 = arith.constant 30 : i32
        %parallel_loop3A_387 = arith.index_cast %parallel_loop3A_386 : i32 to index
        %parallel_loop3A_388 = arith.index_cast %parallel_loop3A_136 : i32 to index
        %parallel_loop3A_389 = tpu.vector_load %arg6[%parallel_loop3A_387, %parallel_loop3A_388] {strides = array<i32>} : memref<73x512xf32, #tpu.memory_space<vmem>>, vector<16xf32>,
        tpu.vector_store %arg6[%parallel_loop3A_387, %parallel_loop3A_388], %parallel_loop3A_385 {strides = array<i32>} : memref<73x512xf32, #tpu.memory_space<vmem>>, vector<16xf32>,
        %parallel_loop3A_390 = arith.constant 33 : i32
        %parallel_loop3A_391 = arith.index_cast %parallel_loop3A_390 : i32 to index
        %parallel_loop3A_392 = arith.index_cast %parallel_loop3A_136 : i32 to index
        %parallel_loop3A_393 = tpu.vector_load %arg5[%parallel_loop3A_391, %parallel_loop3A_392] {strides = array<i32>} : memref<67x512xf32, #tpu.memory_space<vmem>>, vector<16xf32>,
        %parallel_loop3A_394 = arith.constant 31 : i32
        %parallel_loop3A_395 = arith.index_cast %parallel_loop3A_394 : i32 to index
        %parallel_loop3A_396 = arith.index_cast %parallel_loop3A_136 : i32 to index
        %parallel_loop3A_397 = tpu.vector_load %arg6[%parallel_loop3A_395, %parallel_loop3A_396] {strides = array<i32>} : memref<73x512xf32, #tpu.memory_space<vmem>>, vector<16xf32>,
        tpu.vector_store %arg6[%parallel_loop3A_395, %parallel_loop3A_396], %parallel_loop3A_393 {strides = array<i32>} : memref<73x512xf32, #tpu.memory_space<vmem>>, vector<16xf32>,
        %parallel_loop3A_398 = arith.constant 34 : i32
        %parallel_loop3A_399 = arith.index_cast %parallel_loop3A_398 : i32 to index
        %parallel_loop3A_400 = arith.index_cast %parallel_loop3A_136 : i32 to index
        %parallel_loop3A_401 = tpu.vector_load %arg5[%parallel_loop3A_399, %parallel_loop3A_400] {strides = array<i32>} : memref<67x512xf32, #tpu.memory_space<vmem>>, vector<16xf32>,
        %parallel_loop3A_402 = arith.constant 32 : i32
        %parallel_loop3A_403 = arith.index_cast %parallel_loop3A_402 : i32 to index
        %parallel_loop3A_404 = arith.index_cast %parallel_loop3A_136 : i32 to index
        %parallel_loop3A_405 = tpu.vector_load %arg6[%parallel_loop3A_403, %parallel_loop3A_404] {strides = array<i32>} : memref<73x512xf32, #tpu.memory_space<vmem>>, vector<16xf32>,
        tpu.vector_store %arg6[%parallel_loop3A_403, %parallel_loop3A_404], %parallel_loop3A_401 {strides = array<i32>} : memref<73x512xf32, #tpu.memory_space<vmem>>, vector<16xf32>,
        %parallel_loop3A_406 = arith.constant 35 : i32
        %parallel_loop3A_407 = arith.index_cast %parallel_loop3A_406 : i32 to index
        %parallel_loop3A_408 = arith.index_cast %parallel_loop3A_136 : i32 to index
        %parallel_loop3A_409 = tpu.vector_load %arg5[%parallel_loop3A_407, %parallel_loop3A_408] {strides = array<i32>} : memref<67x512xf32, #tpu.memory_space<vmem>>, vector<16xf32>,
        %parallel_loop3A_410 = arith.constant 33 : i32
        %parallel_loop3A_411 = arith.index_cast %parallel_loop3A_410 : i32 to index
        %parallel_loop3A_412 = arith.index_cast %parallel_loop3A_136 : i32 to index
        %parallel_loop3A_413 = tpu.vector_load %arg6[%parallel_loop3A_411, %parallel_loop3A_412] {strides = array<i32>} : memref<73x512xf32, #tpu.memory_space<vmem>>, vector<16xf32>,
        tpu.vector_store %arg6[%parallel_loop3A_411, %parallel_loop3A_412], %parallel_loop3A_409 {strides = array<i32>} : memref<73x512xf32, #tpu.memory_space<vmem>>, vector<16xf32>,
        %parallel_loop3A_414 = arith.constant 36 : i32
        %parallel_loop3A_415 = arith.index_cast %parallel_loop3A_414 : i32 to index
        %parallel_loop3A_416 = arith.index_cast %parallel_loop3A_136 : i32 to index
        %parallel_loop3A_417 = tpu.vector_load %arg5[%parallel_loop3A_415, %parallel_loop3A_416] {strides = array<i32>} : memref<67x512xf32, #tpu.memory_space<vmem>>, vector<16xf32>,
        %parallel_loop3A_418 = arith.constant 34 : i32
        %parallel_loop3A_419 = arith.index_cast %parallel_loop3A_418 : i32 to index
        %parallel_loop3A_420 = arith.index_cast %parallel_loop3A_136 : i32 to index
        %parallel_loop3A_421 = tpu.vector_load %arg6[%parallel_loop3A_419, %parallel_loop3A_420] {strides = array<i32>} : memref<73x512xf32, #tpu.memory_space<vmem>>, vector<16xf32>,
        tpu.vector_store %arg6[%parallel_loop3A_419, %parallel_loop3A_420], %parallel_loop3A_417 {strides = array<i32>} : memref<73x512xf32, #tpu.memory_space<vmem>>, vector<16xf32>,
        %parallel_loop3A_422 = arith.constant 37 : i32
        %parallel_loop3A_423 = arith.index_cast %parallel_loop3A_422 : i32 to index
        %parallel_loop3A_424 = arith.index_cast %parallel_loop3A_136 : i32 to index
        %parallel_loop3A_425 = tpu.vector_load %arg5[%parallel_loop3A_423, %parallel_loop3A_424] {strides = array<i32>} : memref<67x512xf32, #tpu.memory_space<vmem>>, vector<16xf32>,
        %parallel_loop3A_426 = arith.constant 35 : i32
        %parallel_loop3A_427 = arith.index_cast %parallel_loop3A_426 : i32 to index
        %parallel_loop3A_428 = arith.index_cast %parallel_loop3A_136 : i32 to index
        %parallel_loop3A_429 = tpu.vector_load %arg6[%parallel_loop3A_427, %parallel_loop3A_428] {strides = array<i32>} : memref<73x512xf32, #tpu.memory_space<vmem>>, vector<16xf32>,
        tpu.vector_store %arg6[%parallel_loop3A_427, %parallel_loop3A_428], %parallel_loop3A_425 {strides = array<i32>} : memref<73x512xf32, #tpu.memory_space<vmem>>, vector<16xf32>,
        %parallel_loop3A_430 = arith.constant 38 : i32
        %parallel_loop3A_431 = arith.index_cast %parallel_loop3A_430 : i32 to index
        %parallel_loop3A_432 = arith.index_cast %parallel_loop3A_136 : i32 to index
        %parallel_loop3A_433 = tpu.vector_load %arg5[%parallel_loop3A_431, %parallel_loop3A_432] {strides = array<i32>} : memref<67x512xf32, #tpu.memory_space<vmem>>, vector<16xf32>,
        %parallel_loop3A_434 = arith.constant 36 : i32
        %parallel_loop3A_435 = arith.index_cast %parallel_loop3A_434 : i32 to index
        %parallel_loop3A_436 = arith.index_cast %parallel_loop3A_136 : i32 to index
        %parallel_loop3A_437 = tpu.vector_load %arg6[%parallel_loop3A_435, %parallel_loop3A_436] {strides = array<i32>} : memref<73x512xf32, #tpu.memory_space<vmem>>, vector<16xf32>,
        tpu.vector_store %arg6[%parallel_loop3A_435, %parallel_loop3A_436], %parallel_loop3A_433 {strides = array<i32>} : memref<73x512xf32, #tpu.memory_space<vmem>>, vector<16xf32>,
        %parallel_loop3A_438 = arith.constant 39 : i32
        %parallel_loop3A_439 = arith.index_cast %parallel_loop3A_438 : i32 to index
        %parallel_loop3A_440 = arith.index_cast %parallel_loop3A_136 : i32 to index
        %parallel_loop3A_441 = tpu.vector_load %arg5[%parallel_loop3A_439, %parallel_loop3A_440] {strides = array<i32>} : memref<67x512xf32, #tpu.memory_space<vmem>>, vector<16xf32>,
        %parallel_loop3A_442 = arith.constant 37 : i32
        %parallel_loop3A_443 = arith.index_cast %parallel_loop3A_442 : i32 to index
        %parallel_loop3A_444 = arith.index_cast %parallel_loop3A_136 : i32 to index
        %parallel_loop3A_445 = tpu.vector_load %arg6[%parallel_loop3A_443, %parallel_loop3A_444] {strides = array<i32>} : memref<73x512xf32, #tpu.memory_space<vmem>>, vector<16xf32>,
        tpu.vector_store %arg6[%parallel_loop3A_443, %parallel_loop3A_444], %parallel_loop3A_441 {strides = array<i32>} : memref<73x512xf32, #tpu.memory_space<vmem>>, vector<16xf32>,
        %parallel_loop3A_446 = arith.constant 40 : i32
        %parallel_loop3A_447 = arith.index_cast %parallel_loop3A_446 : i32 to index
        %parallel_loop3A_448 = arith.index_cast %parallel_loop3A_136 : i32 to index
        %parallel_loop3A_449 = tpu.vector_load %arg5[%parallel_loop3A_447, %parallel_loop3A_448] {strides = array<i32>} : memref<67x512xf32, #tpu.memory_space<vmem>>, vector<16xf32>,
        %parallel_loop3A_450 = arith.constant 38 : i32
        %parallel_loop3A_451 = arith.index_cast %parallel_loop3A_450 : i32 to index
        %parallel_loop3A_452 = arith.index_cast %parallel_loop3A_136 : i32 to index
        %parallel_loop3A_453 = tpu.vector_load %arg6[%parallel_loop3A_451, %parallel_loop3A_452] {strides = array<i32>} : memref<73x512xf32, #tpu.memory_space<vmem>>, vector<16xf32>,
        tpu.vector_store %arg6[%parallel_loop3A_451, %parallel_loop3A_452], %parallel_loop3A_449 {strides = array<i32>} : memref<73x512xf32, #tpu.memory_space<vmem>>, vector<16xf32>,
        %parallel_loop3A_454 = arith.constant 41 : i32
        %parallel_loop3A_455 = arith.index_cast %parallel_loop3A_454 : i32 to index
        %parallel_loop3A_456 = arith.index_cast %parallel_loop3A_136 : i32 to index
        %parallel_loop3A_457 = tpu.vector_load %arg5[%parallel_loop3A_455, %parallel_loop3A_456] {strides = array<i32>} : memref<67x512xf32, #tpu.memory_space<vmem>>, vector<16xf32>,
        %parallel_loop3A_458 = arith.constant 39 : i32
        %parallel_loop3A_459 = arith.index_cast %parallel_loop3A_458 : i32 to index
        %parallel_loop3A_460 = arith.index_cast %parallel_loop3A_136 : i32 to index
        %parallel_loop3A_461 = tpu.vector_load %arg6[%parallel_loop3A_459, %parallel_loop3A_460] {strides = array<i32>} : memref<73x512xf32, #tpu.memory_space<vmem>>, vector<16xf32>,
        tpu.vector_store %arg6[%parallel_loop3A_459, %parallel_loop3A_460], %parallel_loop3A_457 {strides = array<i32>} : memref<73x512xf32, #tpu.memory_space<vmem>>, vector<16xf32>,
        %parallel_loop3A_462 = arith.constant 42 : i32
        %parallel_loop3A_463 = arith.index_cast %parallel_loop3A_462 : i32 to index
        %parallel_loop3A_464 = arith.index_cast %parallel_loop3A_136 : i32 to index
        %parallel_loop3A_465 = tpu.vector_load %arg5[%parallel_loop3A_463, %parallel_loop3A_464] {strides = array<i32>} : memref<67x512xf32, #tpu.memory_space<vmem>>, vector<16xf32>,
        %parallel_loop3A_466 = arith.constant 40 : i32
        %parallel_loop3A_467 = arith.index_cast %parallel_loop3A_466 : i32 to index
        %parallel_loop3A_468 = arith.index_cast %parallel_loop3A_136 : i32 to index
        %parallel_loop3A_469 = tpu.vector_load %arg6[%parallel_loop3A_467, %parallel_loop3A_468] {strides = array<i32>} : memref<73x512xf32, #tpu.memory_space<vmem>>, vector<16xf32>,
        tpu.vector_store %arg6[%parallel_loop3A_467, %parallel_loop3A_468], %parallel_loop3A_465 {strides = array<i32>} : memref<73x512xf32, #tpu.memory_space<vmem>>, vector<16xf32>,
        %parallel_loop3A_470 = arith.constant 43 : i32
        %parallel_loop3A_471 = arith.index_cast %parallel_loop3A_470 : i32 to index
        %parallel_loop3A_472 = arith.index_cast %parallel_loop3A_136 : i32 to index
        %parallel_loop3A_473 = tpu.vector_load %arg5[%parallel_loop3A_471, %parallel_loop3A_472] {strides = array<i32>} : memref<67x512xf32, #tpu.memory_space<vmem>>, vector<16xf32>,
        %parallel_loop3A_474 = arith.constant 41 : i32
        %parallel_loop3A_475 = arith.index_cast %parallel_loop3A_474 : i32 to index
        %parallel_loop3A_476 = arith.index_cast %parallel_loop3A_136 : i32 to index
        %parallel_loop3A_477 = tpu.vector_load %arg6[%parallel_loop3A_475, %parallel_loop3A_476] {strides = array<i32>} : memref<73x512xf32, #tpu.memory_space<vmem>>, vector<16xf32>,
        tpu.vector_store %arg6[%parallel_loop3A_475, %parallel_loop3A_476], %parallel_loop3A_473 {strides = array<i32>} : memref<73x512xf32, #tpu.memory_space<vmem>>, vector<16xf32>,
        %parallel_loop3A_478 = arith.constant 44 : i32
        %parallel_loop3A_479 = arith.index_cast %parallel_loop3A_478 : i32 to index
        %parallel_loop3A_480 = arith.index_cast %parallel_loop3A_136 : i32 to index
        %parallel_loop3A_481 = tpu.vector_load %arg5[%parallel_loop3A_479, %parallel_loop3A_480] {strides = array<i32>} : memref<67x512xf32, #tpu.memory_space<vmem>>, vector<16xf32>,
        %parallel_loop3A_482 = arith.constant 42 : i32
        %parallel_loop3A_483 = arith.index_cast %parallel_loop3A_482 : i32 to index
        %parallel_loop3A_484 = arith.index_cast %parallel_loop3A_136 : i32 to index
        %parallel_loop3A_485 = tpu.vector_load %arg6[%parallel_loop3A_483, %parallel_loop3A_484] {strides = array<i32>} : memref<73x512xf32, #tpu.memory_space<vmem>>, vector<16xf32>,
        tpu.vector_store %arg6[%parallel_loop3A_483, %parallel_loop3A_484], %parallel_loop3A_481 {strides = array<i32>} : memref<73x512xf32, #tpu.memory_space<vmem>>, vector<16xf32>,
        %parallel_loop3A_486 = arith.constant 45 : i32
        %parallel_loop3A_487 = arith.index_cast %parallel_loop3A_486 : i32 to index
        %parallel_loop3A_488 = arith.index_cast %parallel_loop3A_136 : i32 to index
        %parallel_loop3A_489 = tpu.vector_load %arg5[%parallel_loop3A_487, %parallel_loop3A_488] {strides = array<i32>} : memref<67x512xf32, #tpu.memory_space<vmem>>, vector<16xf32>,
        %parallel_loop3A_490 = arith.constant 43 : i32
        %parallel_loop3A_491 = arith.index_cast %parallel_loop3A_490 : i32 to index
        %parallel_loop3A_492 = arith.index_cast %parallel_loop3A_136 : i32 to index
        %parallel_loop3A_493 = tpu.vector_load %arg6[%parallel_loop3A_491, %parallel_loop3A_492] {strides = array<i32>} : memref<73x512xf32, #tpu.memory_space<vmem>>, vector<16xf32>,
        tpu.vector_store %arg6[%parallel_loop3A_491, %parallel_loop3A_492], %parallel_loop3A_489 {strides = array<i32>} : memref<73x512xf32, #tpu.memory_space<vmem>>, vector<16xf32>,
        %parallel_loop3A_494 = arith.constant 46 : i32
        %parallel_loop3A_495 = arith.index_cast %parallel_loop3A_494 : i32 to index
        %parallel_loop3A_496 = arith.index_cast %parallel_loop3A_136 : i32 to index
        %parallel_loop3A_497 = tpu.vector_load %arg5[%parallel_loop3A_495, %parallel_loop3A_496] {strides = array<i32>} : memref<67x512xf32, #tpu.memory_space<vmem>>, vector<16xf32>,
        %parallel_loop3A_498 = arith.constant 44 : i32
        %parallel_loop3A_499 = arith.index_cast %parallel_loop3A_498 : i32 to index
        %parallel_loop3A_500 = arith.index_cast %parallel_loop3A_136 : i32 to index
        %parallel_loop3A_501 = tpu.vector_load %arg6[%parallel_loop3A_499, %parallel_loop3A_500] {strides = array<i32>} : memref<73x512xf32, #tpu.memory_space<vmem>>, vector<16xf32>,
        tpu.vector_store %arg6[%parallel_loop3A_499, %parallel_loop3A_500], %parallel_loop3A_497 {strides = array<i32>} : memref<73x512xf32, #tpu.memory_space<vmem>>, vector<16xf32>,
        %parallel_loop3A_502 = arith.constant 47 : i32
        %parallel_loop3A_503 = arith.index_cast %parallel_loop3A_502 : i32 to index
        %parallel_loop3A_504 = arith.index_cast %parallel_loop3A_136 : i32 to index
        %parallel_loop3A_505 = tpu.vector_load %arg5[%parallel_loop3A_503, %parallel_loop3A_504] {strides = array<i32>} : memref<67x512xf32, #tpu.memory_space<vmem>>, vector<16xf32>,
        %parallel_loop3A_506 = arith.constant 45 : i32
        %parallel_loop3A_507 = arith.index_cast %parallel_loop3A_506 : i32 to index
        %parallel_loop3A_508 = arith.index_cast %parallel_loop3A_136 : i32 to index
        %parallel_loop3A_509 = tpu.vector_load %arg6[%parallel_loop3A_507, %parallel_loop3A_508] {strides = array<i32>} : memref<73x512xf32, #tpu.memory_space<vmem>>, vector<16xf32>,
        tpu.vector_store %arg6[%parallel_loop3A_507, %parallel_loop3A_508], %parallel_loop3A_505 {strides = array<i32>} : memref<73x512xf32, #tpu.memory_space<vmem>>, vector<16xf32>,
        %parallel_loop3A_510 = arith.constant 48 : i32
        %parallel_loop3A_511 = arith.index_cast %parallel_loop3A_510 : i32 to index
        %parallel_loop3A_512 = arith.index_cast %parallel_loop3A_136 : i32 to index
        %parallel_loop3A_513 = tpu.vector_load %arg5[%parallel_loop3A_511, %parallel_loop3A_512] {strides = array<i32>} : memref<67x512xf32, #tpu.memory_space<vmem>>, vector<16xf32>,
        %parallel_loop3A_514 = arith.constant 46 : i32
        %parallel_loop3A_515 = arith.index_cast %parallel_loop3A_514 : i32 to index
        %parallel_loop3A_516 = arith.index_cast %parallel_loop3A_136 : i32 to index
        %parallel_loop3A_517 = tpu.vector_load %arg6[%parallel_loop3A_515, %parallel_loop3A_516] {strides = array<i32>} : memref<73x512xf32, #tpu.memory_space<vmem>>, vector<16xf32>,
        tpu.vector_store %arg6[%parallel_loop3A_515, %parallel_loop3A_516], %parallel_loop3A_513 {strides = array<i32>} : memref<73x512xf32, #tpu.memory_space<vmem>>, vector<16xf32>,
        %parallel_loop3A_518 = arith.constant 49 : i32
        %parallel_loop3A_519 = arith.index_cast %parallel_loop3A_518 : i32 to index
        %parallel_loop3A_520 = arith.index_cast %parallel_loop3A_136 : i32 to index
        %parallel_loop3A_521 = tpu.vector_load %arg5[%parallel_loop3A_519, %parallel_loop3A_520] {strides = array<i32>} : memref<67x512xf32, #tpu.memory_space<vmem>>, vector<16xf32>,
        %parallel_loop3A_522 = arith.constant 47 : i32
        %parallel_loop3A_523 = arith.index_cast %parallel_loop3A_522 : i32 to index
        %parallel_loop3A_524 = arith.index_cast %parallel_loop3A_136 : i32 to index
        %parallel_loop3A_525 = tpu.vector_load %arg6[%parallel_loop3A_523, %parallel_loop3A_524] {strides = array<i32>} : memref<73x512xf32, #tpu.memory_space<vmem>>, vector<16xf32>,
        tpu.vector_store %arg6[%parallel_loop3A_523, %parallel_loop3A_524], %parallel_loop3A_521 {strides = array<i32>} : memref<73x512xf32, #tpu.memory_space<vmem>>, vector<16xf32>,
        %parallel_loop3A_526 = arith.constant 50 : i32
        %parallel_loop3A_527 = arith.index_cast %parallel_loop3A_526 : i32 to index
        %parallel_loop3A_528 = arith.index_cast %parallel_loop3A_136 : i32 to index
        %parallel_loop3A_529 = tpu.vector_load %arg5[%parallel_loop3A_527, %parallel_loop3A_528] {strides = array<i32>} : memref<67x512xf32, #tpu.memory_space<vmem>>, vector<16xf32>,
        %parallel_loop3A_530 = arith.constant 48 : i32
        %parallel_loop3A_531 = arith.index_cast %parallel_loop3A_530 : i32 to index
        %parallel_loop3A_532 = arith.index_cast %parallel_loop3A_136 : i32 to index
        %parallel_loop3A_533 = tpu.vector_load %arg6[%parallel_loop3A_531, %parallel_loop3A_532] {strides = array<i32>} : memref<73x512xf32, #tpu.memory_space<vmem>>, vector<16xf32>,
        tpu.vector_store %arg6[%parallel_loop3A_531, %parallel_loop3A_532], %parallel_loop3A_529 {strides = array<i32>} : memref<73x512xf32, #tpu.memory_space<vmem>>, vector<16xf32>,
        %parallel_loop3A_534 = arith.constant 51 : i32
        %parallel_loop3A_535 = arith.index_cast %parallel_loop3A_534 : i32 to index
        %parallel_loop3A_536 = arith.index_cast %parallel_loop3A_136 : i32 to index
        %parallel_loop3A_537 = tpu.vector_load %arg5[%parallel_loop3A_535, %parallel_loop3A_536] {strides = array<i32>} : memref<67x512xf32, #tpu.memory_space<vmem>>, vector<16xf32>,
        %parallel_loop3A_538 = arith.constant 49 : i32
        %parallel_loop3A_539 = arith.index_cast %parallel_loop3A_538 : i32 to index
        %parallel_loop3A_540 = arith.index_cast %parallel_loop3A_136 : i32 to index
        %parallel_loop3A_541 = tpu.vector_load %arg6[%parallel_loop3A_539, %parallel_loop3A_540] {strides = array<i32>} : memref<73x512xf32, #tpu.memory_space<vmem>>, vector<16xf32>,
        tpu.vector_store %arg6[%parallel_loop3A_539, %parallel_loop3A_540], %parallel_loop3A_537 {strides = array<i32>} : memref<73x512xf32, #tpu.memory_space<vmem>>, vector<16xf32>,
        %parallel_loop3A_542 = arith.constant 52 : i32
        %parallel_loop3A_543 = arith.index_cast %parallel_loop3A_542 : i32 to index
        %parallel_loop3A_544 = arith.index_cast %parallel_loop3A_136 : i32 to index
        %parallel_loop3A_545 = tpu.vector_load %arg5[%parallel_loop3A_543, %parallel_loop3A_544] {strides = array<i32>} : memref<67x512xf32, #tpu.memory_space<vmem>>, vector<16xf32>,
        %parallel_loop3A_546 = arith.constant 50 : i32
        %parallel_loop3A_547 = arith.index_cast %parallel_loop3A_546 : i32 to index
        %parallel_loop3A_548 = arith.index_cast %parallel_loop3A_136 : i32 to index
        %parallel_loop3A_549 = tpu.vector_load %arg6[%parallel_loop3A_547, %parallel_loop3A_548] {strides = array<i32>} : memref<73x512xf32, #tpu.memory_space<vmem>>, vector<16xf32>,
        tpu.vector_store %arg6[%parallel_loop3A_547, %parallel_loop3A_548], %parallel_loop3A_545 {strides = array<i32>} : memref<73x512xf32, #tpu.memory_space<vmem>>, vector<16xf32>,
        %parallel_loop3A_550 = arith.constant 53 : i32
        %parallel_loop3A_551 = arith.index_cast %parallel_loop3A_550 : i32 to index
        %parallel_loop3A_552 = arith.index_cast %parallel_loop3A_136 : i32 to index
        %parallel_loop3A_553 = tpu.vector_load %arg5[%parallel_loop3A_551, %parallel_loop3A_552] {strides = array<i32>} : memref<67x512xf32, #tpu.memory_space<vmem>>, vector<16xf32>,
        %parallel_loop3A_554 = arith.constant 51 : i32
        %parallel_loop3A_555 = arith.index_cast %parallel_loop3A_554 : i32 to index
        %parallel_loop3A_556 = arith.index_cast %parallel_loop3A_136 : i32 to index
        %parallel_loop3A_557 = tpu.vector_load %arg6[%parallel_loop3A_555, %parallel_loop3A_556] {strides = array<i32>} : memref<73x512xf32, #tpu.memory_space<vmem>>, vector<16xf32>,
        tpu.vector_store %arg6[%parallel_loop3A_555, %parallel_loop3A_556], %parallel_loop3A_553 {strides = array<i32>} : memref<73x512xf32, #tpu.memory_space<vmem>>, vector<16xf32>,
        %parallel_loop3A_558 = arith.constant 54 : i32
        %parallel_loop3A_559 = arith.index_cast %parallel_loop3A_558 : i32 to index
        %parallel_loop3A_560 = arith.index_cast %parallel_loop3A_136 : i32 to index
        %parallel_loop3A_561 = tpu.vector_load %arg5[%parallel_loop3A_559, %parallel_loop3A_560] {strides = array<i32>} : memref<67x512xf32, #tpu.memory_space<vmem>>, vector<16xf32>,
        %parallel_loop3A_562 = arith.constant 52 : i32
        %parallel_loop3A_563 = arith.index_cast %parallel_loop3A_562 : i32 to index
        %parallel_loop3A_564 = arith.index_cast %parallel_loop3A_136 : i32 to index
        %parallel_loop3A_565 = tpu.vector_load %arg6[%parallel_loop3A_563, %parallel_loop3A_564] {strides = array<i32>} : memref<73x512xf32, #tpu.memory_space<vmem>>, vector<16xf32>,
        tpu.vector_store %arg6[%parallel_loop3A_563, %parallel_loop3A_564], %parallel_loop3A_561 {strides = array<i32>} : memref<73x512xf32, #tpu.memory_space<vmem>>, vector<16xf32>,
        %parallel_loop3A_566 = arith.constant 55 : i32
        %parallel_loop3A_567 = arith.index_cast %parallel_loop3A_566 : i32 to index
        %parallel_loop3A_568 = arith.index_cast %parallel_loop3A_136 : i32 to index
        %parallel_loop3A_569 = tpu.vector_load %arg5[%parallel_loop3A_567, %parallel_loop3A_568] {strides = array<i32>} : memref<67x512xf32, #tpu.memory_space<vmem>>, vector<16xf32>,
        %parallel_loop3A_570 = arith.constant 53 : i32
        %parallel_loop3A_571 = arith.index_cast %parallel_loop3A_570 : i32 to index
        %parallel_loop3A_572 = arith.index_cast %parallel_loop3A_136 : i32 to index
        %parallel_loop3A_573 = tpu.vector_load %arg6[%parallel_loop3A_571, %parallel_loop3A_572] {strides = array<i32>} : memref<73x512xf32, #tpu.memory_space<vmem>>, vector<16xf32>,
        tpu.vector_store %arg6[%parallel_loop3A_571, %parallel_loop3A_572], %parallel_loop3A_569 {strides = array<i32>} : memref<73x512xf32, #tpu.memory_space<vmem>>, vector<16xf32>,
        %parallel_loop3A_574 = arith.constant 56 : i32
        %parallel_loop3A_575 = arith.index_cast %parallel_loop3A_574 : i32 to index
        %parallel_loop3A_576 = arith.index_cast %parallel_loop3A_136 : i32 to index
        %parallel_loop3A_577 = tpu.vector_load %arg5[%parallel_loop3A_575, %parallel_loop3A_576] {strides = array<i32>} : memref<67x512xf32, #tpu.memory_space<vmem>>, vector<16xf32>,
        %parallel_loop3A_578 = arith.constant 54 : i32
        %parallel_loop3A_579 = arith.index_cast %parallel_loop3A_578 : i32 to index
        %parallel_loop3A_580 = arith.index_cast %parallel_loop3A_136 : i32 to index
        %parallel_loop3A_581 = tpu.vector_load %arg6[%parallel_loop3A_579, %parallel_loop3A_580] {strides = array<i32>} : memref<73x512xf32, #tpu.memory_space<vmem>>, vector<16xf32>,
        tpu.vector_store %arg6[%parallel_loop3A_579, %parallel_loop3A_580], %parallel_loop3A_577 {strides = array<i32>} : memref<73x512xf32, #tpu.memory_space<vmem>>, vector<16xf32>,
        %parallel_loop3A_582 = arith.constant 57 : i32
        %parallel_loop3A_583 = arith.index_cast %parallel_loop3A_582 : i32 to index
        %parallel_loop3A_584 = arith.index_cast %parallel_loop3A_136 : i32 to index
        %parallel_loop3A_585 = tpu.vector_load %arg5[%parallel_loop3A_583, %parallel_loop3A_584] {strides = array<i32>} : memref<67x512xf32, #tpu.memory_space<vmem>>, vector<16xf32>,
        %parallel_loop3A_586 = arith.constant 55 : i32
        %parallel_loop3A_587 = arith.index_cast %parallel_loop3A_586 : i32 to index
        %parallel_loop3A_588 = arith.index_cast %parallel_loop3A_136 : i32 to index
        %parallel_loop3A_589 = tpu.vector_load %arg6[%parallel_loop3A_587, %parallel_loop3A_588] {strides = array<i32>} : memref<73x512xf32, #tpu.memory_space<vmem>>, vector<16xf32>,
        tpu.vector_store %arg6[%parallel_loop3A_587, %parallel_loop3A_588], %parallel_loop3A_585 {strides = array<i32>} : memref<73x512xf32, #tpu.memory_space<vmem>>, vector<16xf32>,
        %parallel_loop3A_590 = arith.constant 58 : i32
        %parallel_loop3A_591 = arith.index_cast %parallel_loop3A_590 : i32 to index
        %parallel_loop3A_592 = arith.index_cast %parallel_loop3A_136 : i32 to index
        %parallel_loop3A_593 = tpu.vector_load %arg5[%parallel_loop3A_591, %parallel_loop3A_592] {strides = array<i32>} : memref<67x512xf32, #tpu.memory_space<vmem>>, vector<16xf32>,
        %parallel_loop3A_594 = arith.constant 56 : i32
        %parallel_loop3A_595 = arith.index_cast %parallel_loop3A_594 : i32 to index
        %parallel_loop3A_596 = arith.index_cast %parallel_loop3A_136 : i32 to index
        %parallel_loop3A_597 = tpu.vector_load %arg6[%parallel_loop3A_595, %parallel_loop3A_596] {strides = array<i32>} : memref<73x512xf32, #tpu.memory_space<vmem>>, vector<16xf32>,
        tpu.vector_store %arg6[%parallel_loop3A_595, %parallel_loop3A_596], %parallel_loop3A_593 {strides = array<i32>} : memref<73x512xf32, #tpu.memory_space<vmem>>, vector<16xf32>,
        %parallel_loop3A_598 = arith.constant 59 : i32
        %parallel_loop3A_599 = arith.index_cast %parallel_loop3A_598 : i32 to index
        %parallel_loop3A_600 = arith.index_cast %parallel_loop3A_136 : i32 to index
        %parallel_loop3A_601 = tpu.vector_load %arg5[%parallel_loop3A_599, %parallel_loop3A_600] {strides = array<i32>} : memref<67x512xf32, #tpu.memory_space<vmem>>, vector<16xf32>,
        %parallel_loop3A_602 = arith.constant 57 : i32
        %parallel_loop3A_603 = arith.index_cast %parallel_loop3A_602 : i32 to index
        %parallel_loop3A_604 = arith.index_cast %parallel_loop3A_136 : i32 to index
        %parallel_loop3A_605 = tpu.vector_load %arg6[%parallel_loop3A_603, %parallel_loop3A_604] {strides = array<i32>} : memref<73x512xf32, #tpu.memory_space<vmem>>, vector<16xf32>,
        tpu.vector_store %arg6[%parallel_loop3A_603, %parallel_loop3A_604], %parallel_loop3A_601 {strides = array<i32>} : memref<73x512xf32, #tpu.memory_space<vmem>>, vector<16xf32>,
        %parallel_loop3A_606 = arith.constant 60 : i32
        %parallel_loop3A_607 = arith.index_cast %parallel_loop3A_606 : i32 to index
        %parallel_loop3A_608 = arith.index_cast %parallel_loop3A_136 : i32 to index
        %parallel_loop3A_609 = tpu.vector_load %arg5[%parallel_loop3A_607, %parallel_loop3A_608] {strides = array<i32>} : memref<67x512xf32, #tpu.memory_space<vmem>>, vector<16xf32>,
        %parallel_loop3A_610 = arith.constant 58 : i32
        %parallel_loop3A_611 = arith.index_cast %parallel_loop3A_610 : i32 to index
        %parallel_loop3A_612 = arith.index_cast %parallel_loop3A_136 : i32 to index
        %parallel_loop3A_613 = tpu.vector_load %arg6[%parallel_loop3A_611, %parallel_loop3A_612] {strides = array<i32>} : memref<73x512xf32, #tpu.memory_space<vmem>>, vector<16xf32>,
        tpu.vector_store %arg6[%parallel_loop3A_611, %parallel_loop3A_612], %parallel_loop3A_609 {strides = array<i32>} : memref<73x512xf32, #tpu.memory_space<vmem>>, vector<16xf32>,
        %parallel_loop3A_614 = arith.constant 61 : i32
        %parallel_loop3A_615 = arith.index_cast %parallel_loop3A_614 : i32 to index
        %parallel_loop3A_616 = arith.index_cast %parallel_loop3A_136 : i32 to index
        %parallel_loop3A_617 = tpu.vector_load %arg5[%parallel_loop3A_615, %parallel_loop3A_616] {strides = array<i32>} : memref<67x512xf32, #tpu.memory_space<vmem>>, vector<16xf32>,
        %parallel_loop3A_618 = arith.constant 59 : i32
        %parallel_loop3A_619 = arith.index_cast %parallel_loop3A_618 : i32 to index
        %parallel_loop3A_620 = arith.index_cast %parallel_loop3A_136 : i32 to index
        %parallel_loop3A_621 = tpu.vector_load %arg6[%parallel_loop3A_619, %parallel_loop3A_620] {strides = array<i32>} : memref<73x512xf32, #tpu.memory_space<vmem>>, vector<16xf32>,
        tpu.vector_store %arg6[%parallel_loop3A_619, %parallel_loop3A_620], %parallel_loop3A_617 {strides = array<i32>} : memref<73x512xf32, #tpu.memory_space<vmem>>, vector<16xf32>,
        %parallel_loop3A_622 = arith.constant 62 : i32
        %parallel_loop3A_623 = arith.index_cast %parallel_loop3A_622 : i32 to index
        %parallel_loop3A_624 = arith.index_cast %parallel_loop3A_136 : i32 to index
        %parallel_loop3A_625 = tpu.vector_load %arg5[%parallel_loop3A_623, %parallel_loop3A_624] {strides = array<i32>} : memref<67x512xf32, #tpu.memory_space<vmem>>, vector<16xf32>,
        %parallel_loop3A_626 = arith.constant 60 : i32
        %parallel_loop3A_627 = arith.index_cast %parallel_loop3A_626 : i32 to index
        %parallel_loop3A_628 = arith.index_cast %parallel_loop3A_136 : i32 to index
        %parallel_loop3A_629 = tpu.vector_load %arg6[%parallel_loop3A_627, %parallel_loop3A_628] {strides = array<i32>} : memref<73x512xf32, #tpu.memory_space<vmem>>, vector<16xf32>,
        tpu.vector_store %arg6[%parallel_loop3A_627, %parallel_loop3A_628], %parallel_loop3A_625 {strides = array<i32>} : memref<73x512xf32, #tpu.memory_space<vmem>>, vector<16xf32>,
        %parallel_loop3A_630 = arith.constant 63 : i32
        %parallel_loop3A_631 = arith.index_cast %parallel_loop3A_630 : i32 to index
        %parallel_loop3A_632 = arith.index_cast %parallel_loop3A_136 : i32 to index
        %parallel_loop3A_633 = tpu.vector_load %arg5[%parallel_loop3A_631, %parallel_loop3A_632] {strides = array<i32>} : memref<67x512xf32, #tpu.memory_space<vmem>>, vector<16xf32>,
        %parallel_loop3A_634 = arith.constant 61 : i32
        %parallel_loop3A_635 = arith.index_cast %parallel_loop3A_634 : i32 to index
        %parallel_loop3A_636 = arith.index_cast %parallel_loop3A_136 : i32 to index
        %parallel_loop3A_637 = tpu.vector_load %arg6[%parallel_loop3A_635, %parallel_loop3A_636] {strides = array<i32>} : memref<73x512xf32, #tpu.memory_space<vmem>>, vector<16xf32>,
        tpu.vector_store %arg6[%parallel_loop3A_635, %parallel_loop3A_636], %parallel_loop3A_633 {strides = array<i32>} : memref<73x512xf32, #tpu.memory_space<vmem>>, vector<16xf32>,
        %parallel_loop3A_638 = arith.constant 64 : i32
        %parallel_loop3A_639 = arith.index_cast %parallel_loop3A_638 : i32 to index
        %parallel_loop3A_640 = arith.index_cast %parallel_loop3A_136 : i32 to index
        %parallel_loop3A_641 = tpu.vector_load %arg5[%parallel_loop3A_639, %parallel_loop3A_640] {strides = array<i32>} : memref<67x512xf32, #tpu.memory_space<vmem>>, vector<16xf32>,
        %parallel_loop3A_642 = arith.constant 62 : i32
        %parallel_loop3A_643 = arith.index_cast %parallel_loop3A_642 : i32 to index
        %parallel_loop3A_644 = arith.index_cast %parallel_loop3A_136 : i32 to index
        %parallel_loop3A_645 = tpu.vector_load %arg6[%parallel_loop3A_643, %parallel_loop3A_644] {strides = array<i32>} : memref<73x512xf32, #tpu.memory_space<vmem>>, vector<16xf32>,
        tpu.vector_store %arg6[%parallel_loop3A_643, %parallel_loop3A_644], %parallel_loop3A_641 {strides = array<i32>} : memref<73x512xf32, #tpu.memory_space<vmem>>, vector<16xf32>,
        %parallel_loop3A_646 = arith.constant 65 : i32
        %parallel_loop3A_647 = arith.index_cast %parallel_loop3A_646 : i32 to index
        %parallel_loop3A_648 = arith.index_cast %parallel_loop3A_136 : i32 to index
        %parallel_loop3A_649 = tpu.vector_load %arg5[%parallel_loop3A_647, %parallel_loop3A_648] {strides = array<i32>} : memref<67x512xf32, #tpu.memory_space<vmem>>, vector<16xf32>,
        %parallel_loop3A_650 = arith.constant 63 : i32
        %parallel_loop3A_651 = arith.index_cast %parallel_loop3A_650 : i32 to index
        %parallel_loop3A_652 = arith.index_cast %parallel_loop3A_136 : i32 to index
        %parallel_loop3A_653 = tpu.vector_load %arg6[%parallel_loop3A_651, %parallel_loop3A_652] {strides = array<i32>} : memref<73x512xf32, #tpu.memory_space<vmem>>, vector<16xf32>,
        tpu.vector_store %arg6[%parallel_loop3A_651, %parallel_loop3A_652], %parallel_loop3A_649 {strides = array<i32>} : memref<73x512xf32, #tpu.memory_space<vmem>>, vector<16xf32>,
        %parallel_loop3A_654 = arith.constant 66 : i32
        %parallel_loop3A_655 = arith.index_cast %parallel_loop3A_654 : i32 to index
        %parallel_loop3A_656 = arith.index_cast %parallel_loop3A_136 : i32 to index
        %parallel_loop3A_657 = tpu.vector_load %arg5[%parallel_loop3A_655, %parallel_loop3A_656] {strides = array<i32>} : memref<67x512xf32, #tpu.memory_space<vmem>>, vector<16xf32>,
        %parallel_loop3A_658 = arith.constant 64 : i32
        %parallel_loop3A_659 = arith.index_cast %parallel_loop3A_658 : i32 to index
        %parallel_loop3A_660 = arith.index_cast %parallel_loop3A_136 : i32 to index
        %parallel_loop3A_661 = tpu.vector_load %arg6[%parallel_loop3A_659, %parallel_loop3A_660] {strides = array<i32>} : memref<73x512xf32, #tpu.memory_space<vmem>>, vector<16xf32>,
        tpu.vector_store %arg6[%parallel_loop3A_659, %parallel_loop3A_660], %parallel_loop3A_657 {strides = array<i32>} : memref<73x512xf32, #tpu.memory_space<vmem>>, vector<16xf32>,
        %parallel_loop3A_662 = arith.constant 0 : i32
        %parallel_loop3A_663 = vector.broadcast %parallel_loop3A_662 : i32 to vector<16xi32>
        %parallel_loop3A_664 = tpu.vector_load_idx %arg7[%parallel_loop3A_141, %parallel_loop3A_663] : memref<4x8xf32, #tpu.memory_space<vmem>>[vector<16xi32>, vector<16xi32>], vector<16xf32>,
        %parallel_loop3A_665 = arith.constant 65 : i32
        %parallel_loop3A_666 = arith.index_cast %parallel_loop3A_665 : i32 to index
        %parallel_loop3A_667 = arith.index_cast %parallel_loop3A_136 : i32 to index
        %parallel_loop3A_668 = tpu.vector_load %arg6[%parallel_loop3A_666, %parallel_loop3A_667] {strides = array<i32>} : memref<73x512xf32, #tpu.memory_space<vmem>>, vector<16xf32>,
        tpu.vector_store %arg6[%parallel_loop3A_666, %parallel_loop3A_667], %parallel_loop3A_664 {strides = array<i32>} : memref<73x512xf32, #tpu.memory_space<vmem>>, vector<16xf32>,
        %parallel_loop3A_669 = arith.constant 1 : i32
        %parallel_loop3A_670 = vector.broadcast %parallel_loop3A_669 : i32 to vector<16xi32>
        %parallel_loop3A_671 = tpu.vector_load_idx %arg7[%parallel_loop3A_141, %parallel_loop3A_670] : memref<4x8xf32, #tpu.memory_space<vmem>>[vector<16xi32>, vector<16xi32>], vector<16xf32>,
        %parallel_loop3A_672 = arith.constant 66 : i32
        %parallel_loop3A_673 = arith.index_cast %parallel_loop3A_672 : i32 to index
        %parallel_loop3A_674 = arith.index_cast %parallel_loop3A_136 : i32 to index
        %parallel_loop3A_675 = tpu.vector_load %arg6[%parallel_loop3A_673, %parallel_loop3A_674] {strides = array<i32>} : memref<73x512xf32, #tpu.memory_space<vmem>>, vector<16xf32>,
        tpu.vector_store %arg6[%parallel_loop3A_673, %parallel_loop3A_674], %parallel_loop3A_671 {strides = array<i32>} : memref<73x512xf32, #tpu.memory_space<vmem>>, vector<16xf32>,
        %parallel_loop3A_676 = arith.constant 2 : i32
        %parallel_loop3A_677 = vector.broadcast %parallel_loop3A_676 : i32 to vector<16xi32>
        %parallel_loop3A_678 = tpu.vector_load_idx %arg7[%parallel_loop3A_141, %parallel_loop3A_677] : memref<4x8xf32, #tpu.memory_space<vmem>>[vector<16xi32>, vector<16xi32>], vector<16xf32>,
        %parallel_loop3A_679 = arith.constant 67 : i32
        %parallel_loop3A_680 = arith.index_cast %parallel_loop3A_679 : i32 to index
        %parallel_loop3A_681 = arith.index_cast %parallel_loop3A_136 : i32 to index
        %parallel_loop3A_682 = tpu.vector_load %arg6[%parallel_loop3A_680, %parallel_loop3A_681] {strides = array<i32>} : memref<73x512xf32, #tpu.memory_space<vmem>>, vector<16xf32>,
        tpu.vector_store %arg6[%parallel_loop3A_680, %parallel_loop3A_681], %parallel_loop3A_678 {strides = array<i32>} : memref<73x512xf32, #tpu.memory_space<vmem>>, vector<16xf32>,
        %parallel_loop3A_683 = arith.constant 3 : i32
        %parallel_loop3A_684 = vector.broadcast %parallel_loop3A_683 : i32 to vector<16xi32>
        %parallel_loop3A_685 = tpu.vector_load_idx %arg7[%parallel_loop3A_141, %parallel_loop3A_684] : memref<4x8xf32, #tpu.memory_space<vmem>>[vector<16xi32>, vector<16xi32>], vector<16xf32>,
        %parallel_loop3A_686 = arith.constant 68 : i32
        %parallel_loop3A_687 = arith.index_cast %parallel_loop3A_686 : i32 to index
        %parallel_loop3A_688 = arith.index_cast %parallel_loop3A_136 : i32 to index
        %parallel_loop3A_689 = tpu.vector_load %arg6[%parallel_loop3A_687, %parallel_loop3A_688] {strides = array<i32>} : memref<73x512xf32, #tpu.memory_space<vmem>>, vector<16xf32>,
        tpu.vector_store %arg6[%parallel_loop3A_687, %parallel_loop3A_688], %parallel_loop3A_685 {strides = array<i32>} : memref<73x512xf32, #tpu.memory_space<vmem>>, vector<16xf32>,
        %parallel_loop3A_690 = arith.constant 4 : i32
        %parallel_loop3A_691 = vector.broadcast %parallel_loop3A_690 : i32 to vector<16xi32>
        %parallel_loop3A_692 = tpu.vector_load_idx %arg7[%parallel_loop3A_141, %parallel_loop3A_691] : memref<4x8xf32, #tpu.memory_space<vmem>>[vector<16xi32>, vector<16xi32>], vector<16xf32>,
        %parallel_loop3A_693 = arith.constant 69 : i32
        %parallel_loop3A_694 = arith.index_cast %parallel_loop3A_693 : i32 to index
        %parallel_loop3A_695 = arith.index_cast %parallel_loop3A_136 : i32 to index
        %parallel_loop3A_696 = tpu.vector_load %arg6[%parallel_loop3A_694, %parallel_loop3A_695] {strides = array<i32>} : memref<73x512xf32, #tpu.memory_space<vmem>>, vector<16xf32>,
        tpu.vector_store %arg6[%parallel_loop3A_694, %parallel_loop3A_695], %parallel_loop3A_692 {strides = array<i32>} : memref<73x512xf32, #tpu.memory_space<vmem>>, vector<16xf32>,
        %parallel_loop3A_697 = arith.constant 5 : i32
        %parallel_loop3A_698 = vector.broadcast %parallel_loop3A_697 : i32 to vector<16xi32>
        %parallel_loop3A_699 = tpu.vector_load_idx %arg7[%parallel_loop3A_141, %parallel_loop3A_698] : memref<4x8xf32, #tpu.memory_space<vmem>>[vector<16xi32>, vector<16xi32>], vector<16xf32>,
        %parallel_loop3A_700 = arith.constant 70 : i32
        %parallel_loop3A_701 = arith.index_cast %parallel_loop3A_700 : i32 to index
        %parallel_loop3A_702 = arith.index_cast %parallel_loop3A_136 : i32 to index
        %parallel_loop3A_703 = tpu.vector_load %arg6[%parallel_loop3A_701, %parallel_loop3A_702] {strides = array<i32>} : memref<73x512xf32, #tpu.memory_space<vmem>>, vector<16xf32>,
        tpu.vector_store %arg6[%parallel_loop3A_701, %parallel_loop3A_702], %parallel_loop3A_699 {strides = array<i32>} : memref<73x512xf32, #tpu.memory_space<vmem>>, vector<16xf32>,
        %parallel_loop3A_704 = arith.constant 6 : i32
        %parallel_loop3A_705 = vector.broadcast %parallel_loop3A_704 : i32 to vector<16xi32>
        %parallel_loop3A_706 = tpu.vector_load_idx %arg7[%parallel_loop3A_141, %parallel_loop3A_705] : memref<4x8xf32, #tpu.memory_space<vmem>>[vector<16xi32>, vector<16xi32>], vector<16xf32>,
        %parallel_loop3A_707 = arith.constant 71 : i32
        %parallel_loop3A_708 = arith.index_cast %parallel_loop3A_707 : i32 to index
        %parallel_loop3A_709 = arith.index_cast %parallel_loop3A_136 : i32 to index
        %parallel_loop3A_710 = tpu.vector_load %arg6[%parallel_loop3A_708, %parallel_loop3A_709] {strides = array<i32>} : memref<73x512xf32, #tpu.memory_space<vmem>>, vector<16xf32>,
        tpu.vector_store %arg6[%parallel_loop3A_708, %parallel_loop3A_709], %parallel_loop3A_706 {strides = array<i32>} : memref<73x512xf32, #tpu.memory_space<vmem>>, vector<16xf32>,
        %parallel_loop3A_711 = arith.constant 7 : i32
        %parallel_loop3A_712 = vector.broadcast %parallel_loop3A_711 : i32 to vector<16xi32>
        %parallel_loop3A_713 = tpu.vector_load_idx %arg7[%parallel_loop3A_141, %parallel_loop3A_712] : memref<4x8xf32, #tpu.memory_space<vmem>>[vector<16xi32>, vector<16xi32>], vector<16xf32>,
        %parallel_loop3A_714 = arith.constant 72 : i32
        %parallel_loop3A_715 = arith.index_cast %parallel_loop3A_714 : i32 to index
        %parallel_loop3A_716 = arith.index_cast %parallel_loop3A_136 : i32 to index
        %parallel_loop3A_717 = tpu.vector_load %arg6[%parallel_loop3A_715, %parallel_loop3A_716] {strides = array<i32>} : memref<73x512xf32, #tpu.memory_space<vmem>>, vector<16xf32>,
        tpu.vector_store %arg6[%parallel_loop3A_715, %parallel_loop3A_716], %parallel_loop3A_713 {strides = array<i32>} : memref<73x512xf32, #tpu.memory_space<vmem>>, vector<16xf32>,
      } {sc.loop_unroll_factor = 4 : i64, sc.parallel_access}
      %mul3A_118 = arith.constant 128 : i32
      %mul3A_119 = arith.muli %scan3A_102, %mul3A_118 : i32
      %mul3A_120 = arith.constant 128 : i32
      %mul3A_121 = arith.muli %scan3A_102, %mul3A_120 : i32
      %add3A_122 = arith.addi %mul3A_2, %mul3A_121 : i32
      %dma_start3A_123 = arith.constant 0 : i32
      %dma_start3A_124 = tpu.memref_slice %arg6[%dma_start3A_123, %mul3A_119] : memref<73x512xf32, #tpu.memory_space<vmem>> -> memref<73x128xf32, #tpu.memory_space<vmem>>
      %dma_start3A_125 = arith.constant 0 : i32
      %dma_start3A_126 = tpu.memref_slice %arg4[%dma_start3A_125, %add3A_122] : memref<73x16384xf32, #tpu.memory_space<hbm>> -> memref<73x128xf32, #tpu.memory_space<hbm>>
      %dma_start3A_127 = arith.constant 0 : i32
      %dma_start3A_128 = tpu.memref_slice %arg4[%dma_start3A_127, %add3A_122] : memref<73x16384xf32, #tpu.memory_space<hbm>> -> memref<73x128xf32, #tpu.memory_space<hbm>>
      %dma_start3A_129 = arith.constant 0 : i32
      %dma_start3A_130 = tpu.memref_slice %arg6[%dma_start3A_129, %mul3A_119] : memref<73x512xf32, #tpu.memory_space<vmem>> -> memref<73x128xf32, #tpu.memory_space<vmem>>
      tpu.enqueue_dma source(%dma_start3A_130 : memref<73x128xf32, #tpu.memory_space<vmem>>) target(%dma_start3A_128 : memref<73x128xf32, #tpu.memory_space<hbm>>) target_semaphore(%arg9 : memref<!tpu.dma_semaphore, #tpu.memory_space<semaphore_mem>>)
    }
    %scan3A_54 = arith.constant 4 : i32
    %add3A_55 = arith.constant 0 : i32
    %add3A_56 = arith.addi %mul3A_2, %add3A_55 : i32
    %dma_wait3A = arith.constant 0 : i32
    %dma_wait3A_57 = arith.constant 0 : i32
    %dma_wait3A_58 = tpu.memref_slice %arg6[%dma_wait3A, %dma_wait3A_57] : memref<73x512xf32, #tpu.memory_space<vmem>> -> memref<73x128xf32, #tpu.memory_space<vmem>>
    %dma_wait3A_59 = arith.constant 0 : i32
    %dma_wait3A_60 = tpu.memref_slice %arg4[%dma_wait3A_59, %add3A_56] : memref<73x16384xf32, #tpu.memory_space<hbm>> -> memref<73x128xf32, #tpu.memory_space<hbm>>
    %dma_wait3A_61 = arith.constant 0 : i32
    %dma_wait3A_62 = tpu.memref_slice %arg4[%dma_wait3A_61, %add3A_56] : memref<73x16384xf32, #tpu.memory_space<hbm>> -> memref<73x128xf32, #tpu.memory_space<hbm>>
    %dma_wait3A_63 = arith.constant 0 : i32
    %dma_wait3A_64 = arith.constant 0 : i32
    %dma_wait3A_65 = tpu.memref_slice %arg6[%dma_wait3A_63, %dma_wait3A_64] : memref<73x512xf32, #tpu.memory_space<vmem>> -> memref<73x128xf32, #tpu.memory_space<vmem>>
    tpu.wait_dma2 semaphore(%arg9 : memref<!tpu.dma_semaphore, #tpu.memory_space<semaphore_mem>>) src(%dma_wait3A_65 : memref<73x128xf32, #tpu.memory_space<vmem>>) dst(%dma_wait3A_62 : memref<73x128xf32, #tpu.memory_space<hbm>>)
    %add3A_66 = arith.constant 128 : i32
    %add3A_67 = arith.addi %mul3A_2, %add3A_66 : i32
    %dma_wait3A_68 = arith.constant 0 : i32
    %dma_wait3A_69 = arith.constant 128 : i32
    %dma_wait3A_70 = tpu.memref_slice %arg6[%dma_wait3A_68, %dma_wait3A_69] : memref<73x512xf32, #tpu.memory_space<vmem>> -> memref<73x128xf32, #tpu.memory_space<vmem>>
    %dma_wait3A_71 = arith.constant 0 : i32
    %dma_wait3A_72 = tpu.memref_slice %arg4[%dma_wait3A_71, %add3A_67] : memref<73x16384xf32, #tpu.memory_space<hbm>> -> memref<73x128xf32, #tpu.memory_space<hbm>>
    %dma_wait3A_73 = arith.constant 0 : i32
    %dma_wait3A_74 = tpu.memref_slice %arg4[%dma_wait3A_73, %add3A_67] : memref<73x16384xf32, #tpu.memory_space<hbm>> -> memref<73x128xf32, #tpu.memory_space<hbm>>
    %dma_wait3A_75 = arith.constant 0 : i32
    %dma_wait3A_76 = arith.constant 128 : i32
    %dma_wait3A_77 = tpu.memref_slice %arg6[%dma_wait3A_75, %dma_wait3A_76] : memref<73x512xf32, #tpu.memory_space<vmem>> -> memref<73x128xf32, #tpu.memory_space<vmem>>
    tpu.wait_dma2 semaphore(%arg9 : memref<!tpu.dma_semaphore, #tpu.memory_space<semaphore_mem>>) src(%dma_wait3A_77 : memref<73x128xf32, #tpu.memory_space<vmem>>) dst(%dma_wait3A_74 : memref<73x128xf32, #tpu.memory_space<hbm>>)
    %add3A_78 = arith.constant 256 : i32
    %add3A_79 = arith.addi %mul3A_2, %add3A_78 : i32
    %dma_wait3A_80 = arith.constant 0 : i32
    %dma_wait3A_81 = arith.constant 256 : i32
    %dma_wait3A_82 = tpu.memref_slice %arg6[%dma_wait3A_80, %dma_wait3A_81] : memref<73x512xf32, #tpu.memory_space<vmem>> -> memref<73x128xf32, #tpu.memory_space<vmem>>
    %dma_wait3A_83 = arith.constant 0 : i32
    %dma_wait3A_84 = tpu.memref_slice %arg4[%dma_wait3A_83, %add3A_79] : memref<73x16384xf32, #tpu.memory_space<hbm>> -> memref<73x128xf32, #tpu.memory_space<hbm>>
    %dma_wait3A_85 = arith.constant 0 : i32
    %dma_wait3A_86 = tpu.memref_slice %arg4[%dma_wait3A_85, %add3A_79] : memref<73x16384xf32, #tpu.memory_space<hbm>> -> memref<73x128xf32, #tpu.memory_space<hbm>>
    %dma_wait3A_87 = arith.constant 0 : i32
    %dma_wait3A_88 = arith.constant 256 : i32
    %dma_wait3A_89 = tpu.memref_slice %arg6[%dma_wait3A_87, %dma_wait3A_88] : memref<73x512xf32, #tpu.memory_space<vmem>> -> memref<73x128xf32, #tpu.memory_space<vmem>>
    tpu.wait_dma2 semaphore(%arg9 : memref<!tpu.dma_semaphore, #tpu.memory_space<semaphore_mem>>) src(%dma_wait3A_89 : memref<73x128xf32, #tpu.memory_space<vmem>>) dst(%dma_wait3A_86 : memref<73x128xf32, #tpu.memory_space<hbm>>)
    %add3A_90 = arith.constant 384 : i32
    %add3A_91 = arith.addi %mul3A_2, %add3A_90 : i32
    %dma_wait3A_92 = arith.constant 0 : i32
    %dma_wait3A_93 = arith.constant 384 : i32
    %dma_wait3A_94 = tpu.memref_slice %arg6[%dma_wait3A_92, %dma_wait3A_93] : memref<73x512xf32, #tpu.memory_space<vmem>> -> memref<73x128xf32, #tpu.memory_space<vmem>>
    %dma_wait3A_95 = arith.constant 0 : i32
    %dma_wait3A_96 = tpu.memref_slice %arg4[%dma_wait3A_95, %add3A_91] : memref<73x16384xf32, #tpu.memory_space<hbm>> -> memref<73x128xf32, #tpu.memory_space<hbm>>
    %dma_wait3A_97 = arith.constant 0 : i32
    %dma_wait3A_98 = tpu.memref_slice %arg4[%dma_wait3A_97, %add3A_91] : memref<73x16384xf32, #tpu.memory_space<hbm>> -> memref<73x128xf32, #tpu.memory_space<hbm>>
    %dma_wait3A_99 = arith.constant 0 : i32
    %dma_wait3A_100 = arith.constant 384 : i32
    %dma_wait3A_101 = tpu.memref_slice %arg6[%dma_wait3A_99, %dma_wait3A_100] : memref<73x512xf32, #tpu.memory_space<vmem>> -> memref<73x128xf32, #tpu.memory_space<vmem>>
    tpu.wait_dma2 semaphore(%arg9 : memref<!tpu.dma_semaphore, #tpu.memory_space<semaphore_mem>>) src(%dma_wait3A_101 : memref<73x128xf32, #tpu.memory_space<vmem>>) dst(%dma_wait3A_98 : memref<73x128xf32, #tpu.memory_space<hbm>>)
    return
  }
}

</mosaic_0001>

<sc_bundles>
// kernel: kernel.3.cloned.1.call-start
scs
__scs_entry_jumppad:
0x0: {  	(pc) =	sbr.rel $0x88, $3  }
0x1: {  	(tag) =	ssettag $0x0;
	lr =	simm.s32 $0x1  }
0x2: {  	[smem:$0x3F9F] =	sst lr;
	_ =	strace $0xD0000000  }
0x3: {  	_ = 	snop  }
0x4: {  	_ = 	snop  }
0x5: {  	_ = 	snop  }
0x6: {  	_ = 	snop  }
0x7: {  	_ = 	snop  }
__scs_overlays_trampoline_lowered:
0x8: {  	[smem:$0x3FAE] =	sst s0  }
0x9: {  	[smem:$0x3FAF] =	sst s1  }
0xa: {  	[smem:$0x3FB0] =	sst s2  }
0xb: {  	[smem:$0x3FB1] =	sst s3  }
0xc: {  	[smem:$0x3FB2] =	sst s4  }
0xd: {  	[smem:$0x3FB3] =	sst s5  }
0xe: {  	[smem:$0x3FB4] =	sst s6  }
0xf: {  	[smem:$0x3FB5] =	sst s7  }
0x10: {  	[smem:$0x3FB6] =	sst s8  }
0x11: {  	[smem:$0x3FB7] =	sst s9;
	s0 =	simm.s32 @!p0 $0x0  }
0x12: {  	s1 =	sld [smem:$0x3F9D];
	s0 =	simm.s32 @p0 $0x1  }
0x13: {  	[smem:$0x3FB8] =	sst s0;
	s0 =	simm.s32 @!p1 $0x0  }
0x14: {  	s2 =	sld [smem:$0x3F9C];
	s0 =	simm.s32 @p1 $0x1  }
0x15: {  	[smem:$0x3FB9] =	sst s0;
	s0 =	simm.s32 @!p2 $0x0  }
0x16: {  	s3 =	sld [smem:$0x3FDB];
	s0 =	simm.s32 @p2 $0x1  }
0x17: {  	s4 =	simm.s32 $0x1BF5;
	[smem:$0x3FBB] =	sst s0  }
0x18: {  	s0 =	sld [smem:$0x3F9E];
	_ =	swait.ge [sflag:s4], $0x0  }
0x19: {  	s7 =	sld [smem:$0x3F9F]  }
0x1a: {  	s8 =	sadd.s32 $0xFFFFE003, lr  }
0x1b: {  	s9 =	sadd.s32 $0xFFFFFEF7, lr;
	s5 =	simm.s32 $0xFFFFFFFF;
	p2 =	slt.u32 s8, $0xFFFFF086  }
0x1c: {  	p1 =	slt.u32 s9, $0xF7A;
	s5 =	simm.s32 @!p2 $0x0  }
0x1d: {  	s5 =	simm.s32 @p1 $0x1;
	p0 =	seq.s32 s7, s2  }
0x1e: {  	s7 =	smul.u32 @!p0 $0xF7A, s2;
	p2 =	seq.s32 @!p0 s5, $0x0  }
0x1f: {  	s9 =	smul.u32 $0xF7A, s1;
	s8 =	simm.s32 @!p0 $0x1BF5;
	p2 =	por !p2, p0  }
0x20: {  	[sflag:s8] =	ssyncset.s32 @!p0 $0xFFFFF086;
	s6 =	sadd.s32 @!p0 s3, s7;
	s7 =	simm.s32 @!p0 $0x108  }
0x21: {  	s3 =	sadd.s32 s3, s9;
	s6 =	sadd.s32 @!p0 $0x88, s6;
	s7 =	simm.s32 @p2 $0x1082  }
0x22: {  	[simem:s7], [sflag:s8] =	dma.local @!p0 [hbm:s6], $0xF7A  }
0x23: {  	s9 =	sor.u32 $0xD0000000, s2;
	s6 =	simm.s32 $0x108;
	_ =	swait.ge @!p0 [sflag:s8], $0x0  }
0x24: {  	s3 =	sadd.s32 $0x88, s3;
	s6 =	simm.s32 @!p1 $0x1082;
	[sflag:s4] =	ssyncset.s32 $0xFFFFF086  }
0x25: {  	[simem:s6], [sflag:s4] =	dma.local [hbm:s3], $0xF7A  }
0x26: {  	[smem:$0x3F9F] =	sst s1;
	(tag) =	ssettag s2;
	_ =	strace s9  }
0x27: {  	s1 =	sld [smem:$0x3FAF]  }
0x28: {  	s2 =	sld [smem:$0x3FB0]  }
0x29: {  	s4 =	sld [smem:$0x3FB2]  }
0x2a: {  	p0 =	seq.s32 s5, $0x0;
	s5 =	sld [smem:$0x3FB3]  }
0x2b: {  	s6 =	sld [smem:$0x3FB4]  }
0x2c: {  	s7 =	sld [smem:$0x3FB5]  }
0x2d: {  	s3 =	simm.s32 $0x108;
	s8 =	sld [smem:$0x3FB6]  }
0x2e: {  	s3 =	simm.s32 @!p0 $0x1082;
	s9 =	sld [smem:$0x3FB7]  }
0x2f: {  	lr =	sadd.s32 s0, s3;
	s0 =	sld [smem:$0x3FAE]  }
0x30: {  	s3 =	sld [smem:$0x3FB1]  }
0x31: {  	[smem:$0x3FBA] =	sst s10  }
0x32: {  	s10 =	sld [smem:$0x3FB8];
	_ =	sdelay $0x3  }
0x33: {  	p0 =	seq.s32 s10, $0x1;
	s10 =	sld [smem:$0x3FBA];
	_ =	sdelay $0x3  }
0x34: {  	[smem:$0x3FBA] =	sst s10  }
0x35: {  	s10 =	sld [smem:$0x3FB9];
	_ =	sdelay $0x3  }
0x36: {  	p1 =	seq.s32 s10, $0x1;
	s10 =	sld [smem:$0x3FBA];
	_ =	sdelay $0x3  }
0x37: {  	[smem:$0x3FBA] =	sst s10  }
0x38: {  	s10 =	sld [smem:$0x3FBB]  }
0x39: {  	_ = 	snop;
	(pc) =	sbr.ind lr, $3  }
0x3a: {  	_ = 	snop  }
0x3b: {  	_ = 	snop  }
0x3c: {  	p2 =	seq.s32 s10, $0x1;
	s10 =	sld [smem:$0x3FBA]  }
0x3d: {  	_ =	shalt  }
0x3e: {  	_ =	shalt  }
0x3f: {  	_ =	shalt  }
0x40: {  	_ =	shalt  }
0x41: {  	_ =	shalt  }
0x42: {  	_ =	shalt  }
0x43: {  	_ =	shalt  }
0x44: {  	_ =	shalt  }
0x45: {  	_ =	shalt  }
0x46: {  	_ =	shalt  }
0x47: {  	_ =	shalt  }
0x48: {  	_ =	shalt  }
0x49: {  	_ =	shalt  }
0x4a: {  	_ =	shalt  }
0x4b: {  	_ =	shalt  }
0x4c: {  	_ =	shalt  }
0x4d: {  	_ =	shalt  }
0x4e: {  	_ =	shalt  }
0x4f: {  	_ =	shalt  }
0x50: {  	_ =	shalt  }
0x51: {  	_ =	shalt  }
0x52: {  	_ =	shalt  }
0x53: {  	_ =	shalt  }
0x54: {  	_ =	shalt  }
0x55: {  	_ =	shalt  }
0x56: {  	_ =	shalt  }
0x57: {  	_ =	shalt  }
0x58: {  	_ =	shalt  }
0x59: {  	_ =	shalt  }
0x5a: {  	_ =	shalt  }
0x5b: {  	_ =	shalt  }
0x5c: {  	_ =	shalt  }
0x5d: {  	_ =	shalt  }
0x5e: {  	_ =	shalt  }
0x5f: {  	_ =	shalt  }
0x60: {  	_ =	shalt  }
0x61: {  	_ =	shalt  }
0x62: {  	_ =	shalt  }
0x63: {  	_ =	shalt  }
0x64: {  	_ =	shalt  }
0x65: {  	_ =	shalt  }
0x66: {  	_ =	shalt  }
0x67: {  	_ =	shalt  }
0x68: {  	_ =	shalt  }
0x69: {  	_ =	shalt  }
0x6a: {  	_ =	shalt  }
0x6b: {  	_ =	shalt  }
0x6c: {  	_ =	shalt  }
0x6d: {  	_ =	shalt  }
0x6e: {  	_ =	shalt  }
0x6f: {  	_ =	shalt  }
0x70: {  	_ =	shalt  }
0x71: {  	_ =	shalt  }
0x72: {  	_ =	shalt  }
0x73: {  	_ =	shalt  }
0x74: {  	_ =	shalt  }
0x75: {  	_ =	shalt  }
0x76: {  	_ =	shalt  }
0x77: {  	_ =	shalt  }
0x78: {  	_ =	shalt  }
0x79: {  	_ =	shalt  }
0x7a: {  	_ =	shalt  }
0x7b: {  	_ =	shalt  }
0x7c: {  	_ =	shalt  }
0x7d: {  	_ =	shalt  }
0x7e: {  	_ =	shalt  }
0x7f: {  	_ =	shalt  }
0x80: {  	_ =	shalt  }
0x81: {  	_ =	shalt  }
0x82: {  	_ =	shalt  }
0x83: {  	_ =	shalt  }
0x84: {  	_ =	shalt  }
0x85: {  	_ =	shalt  }
0x86: {  	_ =	shalt  }
0x87: {  	_ =	shalt  }
.Lfunc_end0:
.L_simem_size_0:
called_computation_lowered:
.L_overlay_start_0:
0x88: {  	s2 =	sld [smem:$0x3FD9]  }
0x89: {  	s3 =	sld [smem:$0x3FFE];
	_ =	sdelay $0x1  }
0x8a: {  	s1 =	srdreg.scid  }
0x8b: {  	s0 =	sand.u32 $0x1, s1  }
0x8c: {  	s18 =	sshll.u32 s0, $0xA;
	s2 =	sadd.s32 s3, s2  }
0x8d: {  	s2 =	sadd.s32 s2, s18  }
0x8e: {  	[smem:$0x3FC6] =	sst s2  }
0x8f: {  	_ = 	snop  }
0x90: {  	s2 =	sld [smem:$0x3FC9]  }
0x91: {  	s19 =	sld [smem:$0x3FC8]  }
0x92: {  	s4 =	sld [smem:$0x3FD0];
	(tm) =	ssettm $0x1  }
0x93: {  	s5 =	sld [smem:$0x3FFB];
	_ =	sdelay $0x3  }
0x94: {  	_ =	strace s5  }
0x95: {  	s5 =	sld [smem:$0x3FFC];
	_ =	sdelay $0x3  }
0x96: {  	_ =	strace s5  }
0x97: {  	s5 =	sld [smem:$0x3FFD];
	_ =	sdelay $0x3  }
0x98: {  	_ =	strace s5  }
0x99: {  	_ =	strace $0x8FFFFFFF  }
0x9a: {  	s20 =	sld [smem:$0x3FDB];
	_ =	sdelay $0x1  }
0x9b: {  	s6 =	simm.s32 $_scs_section_size  }
0x9c: {  	s7 =	simm.s32 $_size__tile_overlayer_lowered;
	s8 =	simm.s32 $_tile_overlayer_lowered  }
0x9d: {  	s23 =	simm.s32 $0x1BFF;
	s22 =	sshll.u32 s8, $0x1;
	s5 =	sadd.s32 s6, s20  }
0x9e: {  	s9 =	simm.s32 $0x0;
	s21 =	sshll.u32 s7, $0x1;
	s7 =	sadd.s32 s22, s5  }
0x9f: {  	[timem:s9], [sflag:s23] =	dma.local [hbm:s7], s21  }
0xa0: {  	_ =	swait.ge [sflag:s23], s21  }
0xa1: {  	s6 =	ssub.s32 $0x0, s21;
	[sflag:s23] =	ssyncset.done $0x0  }
0xa2: {  	[sflag:s23] =	ssyncadd.s32 s6;
	_ =	sdelay $0x1  }
0xa3: {  	s24 =	simm.s32 $0x1B8B  }
0xa4: {  	_ =	swait.ge [sflag:s24], $0x1  }
0xa5: {  	[sflag:s24] =	ssyncset.done $0x0  }
0xa6: {  	s25 =	simm.s32 $0x1B8E;
	[sflag:s24] =	ssyncadd.s32 $0xFFFFFFFF  }
0xa7: {  	s26 =	simm.s32 $execute0_lowered;
	[smem:$0x3FD2] =	sst s25  }
0xa8: {  	s6 =	sshll.u32 s26, $0x1;
	_ =	strace $0x80000046;
	[dreg:$0x1] =	wrdreg $0xFFFFFFFF  }
0xa9: {  	s28 =	simm.s32 $_size_execute0_lowered;
	s5 =	sadd.s32 s5, s6;
	[dreg:$0x0] =	wrdreg $0x0  }
0xaa: {  	s6 =	sshll.u32 s28, $0x1;
	[dreg:$0x2] =	wrdreg s5  }
0xab: {  	[dreg:$0x3] =	wrdreg s6  }
0xac: {  	[dreg:$0x4] =	wrdreg $0xC0  }
0xad: {  	_ =	task [dreg:s9], $0x5FFFF  }
0xae: {  	[dreg:$0x1] =	wrdreg $0xFFFFFFFF  }
0xaf: {  	[dreg:$0x0] =	wrdreg $0x60  }
0xb0: {  	[dreg:$0x2] =	wrdreg s2  }
0xb1: {  	[dreg:$0x3] =	wrdreg s19  }
0xb2: {  	[dreg:$0x4] =	wrdreg s4  }
0xb3: {  	[dreg:$0x5] =	wrdreg $0x9  }
0xb4: {  	_ =	task.clear_ibuf [dreg:s9], $0x6FFFF;
	_ =	strace $0x90000046  }
0xb5: {  	s29 =	simm.s32 $0x9;
	_ =	strace $0x80000048  }
0xb6: {  	_ =	swait.ge [sflag:s29], $0x1  }
0xb7: {  	[sflag:s29] =	ssyncadd.s32 $0xFFFFFFFF  }
0xb8: {  	_ =	strace $0x90000048  }
0xb9: {  	_ =	sfence  }
0xba: {  	s30 =	sld [smem:$0x0];
	_ =	sdelay $0x2  }
0xbb: {  	s31 =	sshll.u32 s1, $0xD;
	s1 =	sshrl.u32 s1, $0x2  }
0xbc: {  	s3 =	sand.u32 $0x4000, s31;
	s1 =	sadd.s32 s1, s30  }
0xbd: {  	s0 =	sor.u32 s3, s0;
	s1 =	sshll.u32 s1, $0x11  }
0xbe: {  	s0 =	sor.u32 s1, s0  }
0xbf: {  	s0 =	sadd.s32 $0x8F2B, s0  }
0xc0: {  	[sflag:s0] =	ssyncadd.remote.s32 $0x1  }
0xc1: {  	_ =	sfence.sel $0xFFFF  }
0xc2: {  	[dreg:$0x0] =	wrdreg $0xFFFFFFFF;
	(pc) =	sbr.abs _section_cstart, $3  }
0xc3: {  	[dreg:$0x1] =	wrdreg $0xFFFFFFFF  }
0xc4: {  	_ =	task.clear_ibuf [dreg:s9], $0x2FFFF;
	_ =	strace $0x9FFFFFFF  }
0xc5: {  	(tm) =	ssettm $0x7FFFFFFF  }
tec
execute0_lowered:
.L_overlay_start_1:
0x0: {  	(tag) =	ssettag $0x1  }
0x1: {  	s2 =	srdreg.scid  }
0x2: {  	s4 =	stileid.u32;
	s2 =	sand.u32 $0x1, s2  }
0x3: {  	s0 =	rddreg [dreg:$0x0];
	s4 =	sshll.u32 s4, $0xA;
	s5 =	sshll.u32 s2, $0x9  }
0x4: {  	s1 =	rddreg [dreg:$0x2];
	s3 =	simm.s32 $0x0;
	s5 =	sor.u32 s5, s4  }
0x5: {  	[smem:$0x7FF] =	sst s3;
	s4 =	sadd.s32 s0, s5  }
0x6: {  	s2 =	ssub.s32 $0x2, s2;
	_ =	strace $0x80000047;
	s25 =	sadd.s32 $0x80, s4  }
0x7: {  	s6 =	sshrl.u32 s2, $0x1;
	s26 =	sadd.s32 $0x100, s4;
	[dreg:$0x4] =	wrdreg s25  }
0x8: {  	s24 =	ssub.s32 s2, s6;
	s28 =	sadd.s32 $0x180, s4;
	[dreg:$0x5] =	wrdreg s26  }
0x9: {  	s0 =	smax.u32 s24, $0x1;
	[dreg:$0x6] =	wrdreg s28  }
0xa: {  	s29 =	sadd.s32 $0x4000, s4;
	[dreg:$0x7] =	wrdreg s0  }
0xb: {  	s30 =	sadd.s32 $0x8000, s4;
	[dreg:$0x8] =	wrdreg s29  }
0xc: {  	s31 =	sadd.s32 $0xC000, s4;
	[dreg:$0x9] =	wrdreg s30  }
0xd: {  	s8 =	sadd.s32 s1, s5;
	s1 =	sadd.s32 $0x10000, s4;
	[dreg:$0xa] =	wrdreg s31  }
0xe: {  	s2 =	sadd.s32 $0x14000, s4;
	[dreg:$0xb] =	wrdreg s1  }
0xf: {  	s5 =	sadd.s32 $0x18000, s4;
	[dreg:$0xc] =	wrdreg s2  }
0x10: {  	s6 =	sadd.s32 $0x1C000, s4;
	[dreg:$0xd] =	wrdreg s5  }
0x11: {  	s7 =	sadd.s32 $0x20000, s4;
	[dreg:$0xe] =	wrdreg s6  }
0x12: {  	s9 =	sadd.s32 $0x4080, s4;
	[dreg:$0xf] =	wrdreg s7  }
0x13: {  	s10 =	sadd.s32 $0x8080, s4;
	[dreg:$0x10] =	wrdreg s9  }
0x14: {  	s11 =	sadd.s32 $0xC080, s4;
	[dreg:$0x11] =	wrdreg s10  }
0x15: {  	s12 =	sadd.s32 $0x10080, s4;
	[dreg:$0x12] =	wrdreg s11  }
0x16: {  	s13 =	sadd.s32 $0x14080, s4;
	[dreg:$0x13] =	wrdreg s12  }
0x17: {  	s14 =	sadd.s32 $0x18080, s4;
	[dreg:$0x14] =	wrdreg s13  }
0x18: {  	s15 =	sadd.s32 $0x1C080, s4;
	[dreg:$0x15] =	wrdreg s14  }
0x19: {  	s16 =	sadd.s32 $0x20080, s4;
	[dreg:$0x16] =	wrdreg s15  }
0x1a: {  	s17 =	sadd.s32 $0x4100, s4;
	[dreg:$0x17] =	wrdreg s16  }
0x1b: {  	s18 =	sadd.s32 $0x8100, s4;
	[dreg:$0x18] =	wrdreg s17  }
0x1c: {  	s19 =	sadd.s32 $0xC100, s4;
	[dreg:$0x19] =	wrdreg s18  }
0x1d: {  	s20 =	sadd.s32 $0x10100, s4;
	[dreg:$0x1a] =	wrdreg s19  }
0x1e: {  	s21 =	sadd.s32 $0x14100, s4;
	[dreg:$0x1b] =	wrdreg s20  }
0x1f: {  	s22 =	sadd.s32 $0x18100, s4;
	[dreg:$0x1c] =	wrdreg s21  }
0x20: {  	s23 =	sadd.s32 $0x1C100, s4;
	[dreg:$0x1d] =	wrdreg s22  }
0x21: {  	s24 =	sadd.s32 $0x20100, s4;
	[dreg:$0x1e] =	wrdreg s23  }
0x22: {  	[dreg:$0x1f] =	wrdreg s24;
	s25 =	sadd.s32 $0x4180, s4  }
0x23: {  	s26 =	sadd.s32 $0x8180, s4;
	s28 =	sadd.s32 $0xC180, s4;
	[smem:$0x7F8] =	sst s25  }
0x24: {  	s29 =	sadd.s32 $0x10180, s4;
	s30 =	sadd.s32 $0x14180, s4;
	[smem:$0x7F9] =	sst s26  }
0x25: {  	s31 =	sadd.s32 $0x18180, s4;
	s12 =	sadd.s32 $0x1C180, s4;
	[smem:$0x7FA] =	sst s28  }
0x26: {  	s13 =	sadd.s32 $0x20180, s4;
	s14 =	simm.s32 $0x13000;
	[smem:$0x7FB] =	sst s29  }
0x27: {  	s15 =	simm.s32 $0x3;
	s16 =	simm.s32 $0x1;
	[smem:$0x7FC] =	sst s30  }
0x28: {  	s17 =	simm.s32 $0x2;
	s18 =	simm.s32 $0x0;
	[smem:$0x7FD] =	sst s31  }
.LBB2_1:
0x29: {  	[tilespmem:s3], [sflag:$0x1] =	stream.linear.gather [hbm4b:s4+s3], $0x400, $0x38;
	[tilespmem:$0x13200] =	vst v63  }
0x2a: {  	s0 =	rddreg [dreg:$0x8]  }
0x2b: {  	s1 =	simm.s32 $0x1000;
	s23 =	rddreg [dreg:$0x9]  }
0x2c: {  	[tilespmem:s1], [sflag:$0x1] =	stream.linear.gather [hbm4b:s0+s3], $0x400, $0x38;
	[tilespmem:$0x13200] =	vst v63  }
0x2d: {  	s24 =	simm.s32 $0x2000;
	s25 =	rddreg [dreg:$0xa]  }
0x2e: {  	[tilespmem:s24], [sflag:$0x1] =	stream.linear.gather [hbm4b:s23+s3], $0x400, $0x38;
	[tilespmem:$0x13200] =	vst v63  }
0x2f: {  	s26 =	simm.s32 $0x3000;
	s28 =	rddreg [dreg:$0xb]  }
0x30: {  	[tilespmem:s26], [sflag:$0x1] =	stream.linear.gather [hbm4b:s25+s3], $0x400, $0x38;
	[tilespmem:$0x13200] =	vst v63  }
0x31: {  	s29 =	simm.s32 $0x4000;
	s30 =	rddreg [dreg:$0xc]  }
0x32: {  	[tilespmem:s29], [sflag:$0x1] =	stream.linear.gather [hbm4b:s28+s3], $0x400, $0x38;
	[tilespmem:$0x13200] =	vst v63  }
0x33: {  	s31 =	simm.s32 $0x5000;
	s5 =	rddreg [dreg:$0xe]  }
0x34: {  	[tilespmem:s31], [sflag:$0x1] =	stream.linear.gather [hbm4b:s30+s3], $0x400, $0x38;
	[tilespmem:$0x13200] =	vst v63  }
0x35: {  	s2 =	simm.s32 $0x6000;
	s1 =	rddreg [dreg:$0xd]  }
0x36: {  	[tilespmem:s2], [sflag:$0x1] =	stream.linear.gather [hbm4b:s1+s3], $0x400, $0x38;
	[tilespmem:$0x13200] =	vst v63  }
0x37: {  	s6 =	simm.s32 $0x7000;
	s7 =	rddreg [dreg:$0xf]  }
0x38: {  	[tilespmem:s6], [sflag:$0x1] =	stream.linear.gather [hbm4b:s5+s3], $0x400, $0x38;
	[tilespmem:$0x13200] =	vst v63  }
0x39: {  	s9 =	simm.s32 $0x8000;
	s10 =	rddreg [dreg:$0x4]  }
0x3a: {  	[tilespmem:s9], [sflag:$0x1] =	stream.linear.gather [hbm4b:s7+s3], $0x400, $0x38;
	[tilespmem:$0x13200] =	vst v63  }
0x3b: {  	s11 =	simm.s32 $0x400;
	s19 =	rddreg [dreg:$0x10]  }
0x3c: {  	[tilespmem:s11], [sflag:$0x1] =	stream.linear.gather [hbm4b:s10+s3], $0x400, $0x38;
	[tilespmem:$0x13200] =	vst v63  }
0x3d: {  	s20 =	simm.s32 $0x1400;
	s21 =	rddreg [dreg:$0x11]  }
0x3e: {  	[tilespmem:s20], [sflag:$0x1] =	stream.linear.gather [hbm4b:s19+s3], $0x400, $0x38;
	[tilespmem:$0x13200] =	vst v63  }
0x3f: {  	s22 =	simm.s32 $0x2400;
	s23 =	rddreg [dreg:$0x12]  }
0x40: {  	[tilespmem:s22], [sflag:$0x1] =	stream.linear.gather [hbm4b:s21+s3], $0x400, $0x38;
	[tilespmem:$0x13200] =	vst v63  }
0x41: {  	s24 =	simm.s32 $0x3400;
	s25 =	rddreg [dreg:$0x13]  }
0x42: {  	[tilespmem:s24], [sflag:$0x1] =	stream.linear.gather [hbm4b:s23+s3], $0x400, $0x38;
	[tilespmem:$0x13200] =	vst v63  }
0x43: {  	s26 =	simm.s32 $0x4400;
	s28 =	rddreg [dreg:$0x14]  }
0x44: {  	[tilespmem:s26], [sflag:$0x1] =	stream.linear.gather [hbm4b:s25+s3], $0x400, $0x38;
	[tilespmem:$0x13200] =	vst v63  }
0x45: {  	s29 =	simm.s32 $0x5400;
	s30 =	rddreg [dreg:$0x15]  }
0x46: {  	[tilespmem:s29], [sflag:$0x1] =	stream.linear.gather [hbm4b:s28+s3], $0x400, $0x38;
	[tilespmem:$0x13200] =	vst v63  }
0x47: {  	s31 =	simm.s32 $0x6400;
	s1 =	rddreg [dreg:$0x16]  }
0x48: {  	[tilespmem:s31], [sflag:$0x1] =	stream.linear.gather [hbm4b:s30+s3], $0x400, $0x38;
	[tilespmem:$0x13200] =	vst v63  }
0x49: {  	s2 =	simm.s32 $0x7400;
	s5 =	rddreg [dreg:$0x17]  }
0x4a: {  	[tilespmem:s2], [sflag:$0x1] =	stream.linear.gather [hbm4b:s1+s3], $0x400, $0x38;
	[tilespmem:$0x13200] =	vst v63  }
0x4b: {  	s6 =	simm.s32 $0x8400;
	s7 =	rddreg [dreg:$0x5]  }
0x4c: {  	[tilespmem:s6], [sflag:$0x1] =	stream.linear.gather [hbm4b:s5+s3], $0x400, $0x38;
	[tilespmem:$0x13200] =	vst v63  }
0x4d: {  	s9 =	simm.s32 $0x800;
	s10 =	rddreg [dreg:$0x18]  }
0x4e: {  	[tilespmem:s9], [sflag:$0x1] =	stream.linear.gather [hbm4b:s7+s3], $0x400, $0x38;
	[tilespmem:$0x13200] =	vst v63  }
0x4f: {  	s11 =	simm.s32 $0x1800;
	s19 =	rddreg [dreg:$0x19]  }
0x50: {  	[tilespmem:s11], [sflag:$0x1] =	stream.linear.gather [hbm4b:s10+s3], $0x400, $0x38;
	[tilespmem:$0x13200] =	vst v63  }
0x51: {  	s20 =	simm.s32 $0x2800;
	s21 =	rddreg [dreg:$0x1a]  }
0x52: {  	[tilespmem:s20], [sflag:$0x1] =	stream.linear.gather [hbm4b:s19+s3], $0x400, $0x38;
	[tilespmem:$0x13200] =	vst v63  }
0x53: {  	s22 =	simm.s32 $0x3800;
	s23 =	rddreg [dreg:$0x1b]  }
0x54: {  	[tilespmem:s22], [sflag:$0x1] =	stream.linear.gather [hbm4b:s21+s3], $0x400, $0x38;
	[tilespmem:$0x13200] =	vst v63  }
0x55: {  	s24 =	simm.s32 $0x4800;
	s25 =	rddreg [dreg:$0x1c]  }
0x56: {  	[tilespmem:s24], [sflag:$0x1] =	stream.linear.gather [hbm4b:s23+s3], $0x400, $0x38;
	[tilespmem:$0x13200] =	vst v63  }
0x57: {  	s26 =	simm.s32 $0x5800;
	s28 =	rddreg [dreg:$0x1d]  }
0x58: {  	[tilespmem:s26], [sflag:$0x1] =	stream.linear.gather [hbm4b:s25+s3], $0x400, $0x38;
	[tilespmem:$0x13200] =	vst v63  }
0x59: {  	s29 =	simm.s32 $0x6800;
	s30 =	rddreg [dreg:$0x1e]  }
0x5a: {  	[tilespmem:s29], [sflag:$0x1] =	stream.linear.gather [hbm4b:s28+s3], $0x400, $0x38;
	[tilespmem:$0x13200] =	vst v63  }
0x5b: {  	s31 =	simm.s32 $0x7800;
	s2 =	rddreg [dreg:$0x1f]  }
0x5c: {  	[tilespmem:s31], [sflag:$0x1] =	stream.linear.gather [hbm4b:s30+s3], $0x400, $0x38;
	[tilespmem:$0x13200] =	vst v63  }
0x5d: {  	s5 =	simm.s32 $0x8800;
	s6 =	rddreg [dreg:$0x6]  }
0x5e: {  	[tilespmem:s5], [sflag:$0x1] =	stream.linear.gather [hbm4b:s2+s3], $0x400, $0x38;
	[tilespmem:$0x13200] =	vst v63  }
0x5f: {  	s7 =	simm.s32 $0xC00;
	s9 =	sld [smem:$0x7F8]  }
0x60: {  	[tilespmem:s7], [sflag:$0x1] =	stream.linear.gather [hbm4b:s6+s3], $0x400, $0x38;
	[tilespmem:$0x13200] =	vst v63  }
0x61: {  	s10 =	simm.s32 $0x1C00;
	s11 =	sld [smem:$0x7F9]  }
0x62: {  	[tilespmem:s10], [sflag:$0x1] =	stream.linear.gather [hbm4b:s9+s3], $0x400, $0x38;
	[tilespmem:$0x13200] =	vst v63  }
0x63: {  	s19 =	simm.s32 $0x2C00;
	s20 =	sld [smem:$0x7FA]  }
0x64: {  	[tilespmem:s19], [sflag:$0x1] =	stream.linear.gather [hbm4b:s11+s3], $0x400, $0x38;
	[tilespmem:$0x13200] =	vst v63  }
0x65: {  	s21 =	simm.s32 $0x3C00;
	s22 =	sld [smem:$0x7FB]  }
0x66: {  	[tilespmem:s21], [sflag:$0x1] =	stream.linear.gather [hbm4b:s20+s3], $0x400, $0x38;
	[tilespmem:$0x13200] =	vst v63  }
0x67: {  	s23 =	simm.s32 $0x4C00;
	s24 =	sld [smem:$0x7FC]  }
0x68: {  	[tilespmem:s23], [sflag:$0x1] =	stream.linear.gather [hbm4b:s22+s3], $0x400, $0x38;
	[tilespmem:$0x13200] =	vst v63  }
0x69: {  	s25 =	simm.s32 $0x5C00;
	s26 =	sld [smem:$0x7FD]  }
0x6a: {  	[tilespmem:s25], [sflag:$0x1] =	stream.linear.gather [hbm4b:s24+s3], $0x400, $0x38;
	[tilespmem:$0x13200] =	vst v63  }
0x6b: {  	s28 =	simm.s32 $0x6C00  }
0x6c: {  	[tilespmem:s28], [sflag:$0x1] =	stream.linear.gather [hbm4b:s26+s3], $0x400, $0x38;
	[tilespmem:$0x13200] =	vst v63  }
0x6d: {  	s29 =	simm.s32 $0x7C00  }
0x6e: {  	[tilespmem:s29], [sflag:$0x1] =	stream.linear.gather [hbm4b:s12+s3], $0x400, $0x38;
	[tilespmem:$0x13200] =	vst v63  }
0x6f: {  	s30 =	simm.s32 $0x8C00  }
0x70: {  	[tilespmem:s30], [sflag:$0x1] =	stream.linear.gather [hbm4b:s13+s3], $0x400, $0x38;
	[tilespmem:$0x13200] =	vst v63  }
0x71: {  	s31 =	rddreg [dreg:$0x1]  }
0x72: {  	[tilespmem:s14], [sflag:$0x3] =	stream.linear.gather [hbm4b:s31+s3], $0x200, $0x38;
	[tilespmem:$0x13200] =	vst v63  }
0x73: {  	_ =	swait.ge [sflag:s15], $0x200  }
0x74: {  	[sflag:s15] =	ssyncset.done $0x0  }
0x75: {  	s19 =	simm.s32 $0x0;
	[sflag:s15] =	ssyncadd.s32 $0xFFFFFE00  }
.LBB2_2:
0x76: {  	_ =	swait.ge [sflag:s16], $0x2400  }
0x77: {  	s20 =	sshll.u32 s19, $0x7;
	[sflag:s16] =	ssyncset.done $0x0  }
0x78: {  	s28 =	simm.s32 $0x0;
	p0 =	por $0x1, $0x1;
	[sflag:s16] =	ssyncadd.s32 $0xFFFFDC00  }
.LBB2_3:
0x79: {  	s0 =	sor.u32 s20, s28  }
0x7a: {  	s0 =	sshll.u32 s0, $0x3  }
0x7b: {  	s1 =	sand.u32 $0xC00, s0  }
0x7c: {  	s22 =	sor.u32 s28, s1  }
0x7d: {  	v1 =	vld [tilespmem:s22+$0x0];
	_ =	sdelay $0x3  }
0x7e: {  	s2 =	sor.u32 $0x2100, s22  }
0x7f: {  	s9 =	sor.u32 $0x80, s22;
	v0 =	vld [tilespmem:s2+$0x0];
	[tilespmem:s22+$0x9000] =	vst v1  }
0x80: {  	v1 =	vld [tilespmem:s9+$0x0];
	_ =	sdelay $0x4  }
0x81: {  	s10 =	sor.u32 $0x100, s22;
	[tilespmem:s22+$0x9080] =	vst v1  }
0x82: {  	v1 =	vld [tilespmem:s10+$0x0];
	_ =	sdelay $0x4  }
0x83: {  	s11 =	sor.u32 $0x180, s22;
	[tilespmem:s22+$0x9100] =	vst v1  }
0x84: {  	v1 =	vld [tilespmem:s11+$0x0];
	_ =	sdelay $0x3  }
0x85: {  	s23 =	sor.u32 s28, s0  }
0x86: {  	s0 =	sor.u32 $0x200, s23;
	[tilespmem:s22+$0x9180] =	vst v1  }
0x87: {  	v1 =	vld [tilespmem:s0+$0x0];
	_ =	sdelay $0x4  }
0x88: {  	s21 =	sor.u32 $0x280, s23;
	[tilespmem:s0+$0x9000] =	vst v1  }
0x89: {  	v1 =	vld [tilespmem:s21+$0x0];
	_ =	sdelay $0x4  }
0x8a: {  	s24 =	sor.u32 $0x300, s23;
	[tilespmem:s21+$0x9000] =	vst v1  }
0x8b: {  	v1 =	vld [tilespmem:s24+$0x0];
	_ =	sdelay $0x4  }
0x8c: {  	s25 =	sor.u32 $0x380, s23;
	[tilespmem:s24+$0x9000] =	vst v1  }
0x8d: {  	v1 =	vld [tilespmem:s25+$0x0];
	_ =	sdelay $0x4  }
0x8e: {  	s26 =	sor.u32 $0x1000, s22;
	[tilespmem:s25+$0x9000] =	vst v1  }
0x8f: {  	v1 =	vld [tilespmem:s26+$0x0];
	_ =	sdelay $0x4  }
0x90: {  	s29 =	sor.u32 $0x1080, s22;
	[tilespmem:s22+$0xA000] =	vst v1  }
0x91: {  	v1 =	vld [tilespmem:s29+$0x0];
	_ =	sdelay $0x4  }
0x92: {  	s30 =	sor.u32 $0x1100, s22;
	[tilespmem:s22+$0xA080] =	vst v1  }
0x93: {  	v1 =	vld [tilespmem:s30+$0x0];
	_ =	sdelay $0x4  }
0x94: {  	s31 =	sor.u32 $0x1180, s22;
	[tilespmem:s22+$0xA100] =	vst v1  }
0x95: {  	v1 =	vld [tilespmem:s31+$0x0];
	_ =	sdelay $0x4  }
0x96: {  	s2 =	sor.u32 $0x1200, s23;
	[tilespmem:s22+$0xA180] =	vst v1  }
0x97: {  	v1 =	vld [tilespmem:s2+$0x0];
	_ =	sdelay $0x4  }
0x98: {  	s5 =	sor.u32 $0x1280, s23;
	[tilespmem:s2+$0x9000] =	vst v1  }
0x99: {  	v1 =	vld [tilespmem:s5+$0x0];
	_ =	sdelay $0x4  }
0x9a: {  	s6 =	sor.u32 $0x1300, s23;
	[tilespmem:s5+$0x9000] =	vst v1  }
0x9b: {  	v1 =	vld [tilespmem:s6+$0x0];
	_ =	sdelay $0x4  }
0x9c: {  	s7 =	sor.u32 $0x1380, s23;
	[tilespmem:s6+$0x9000] =	vst v1  }
0x9d: {  	v1 =	vld [tilespmem:s7+$0x0];
	_ =	sdelay $0x4  }
0x9e: {  	s9 =	sor.u32 $0x2080, s22;
	[tilespmem:s7+$0x9000] =	vst v1  }
0x9f: {  	v1 =	vld [tilespmem:s9+$0x0];
	_ =	sdelay $0x3  }
0xa0: {  	s21 =	sadd.s32 s28, s1  }
0xa1: {  	s10 =	sor.u32 $0x2180, s22;
	[tilespmem:s21+$0xB000] =	vst v1  }
0xa2: {  	v1 =	vld [tilespmem:s10+$0x0];
	_ =	sdelay $0x4  }
0xa3: {  	s11 =	sor.u32 $0x2200, s23;
	[tilespmem:s22+$0xB080] =	vst v1  }
0xa4: {  	v1 =	vld [tilespmem:s11+$0x0];
	_ =	sdelay $0x4  }
0xa5: {  	s24 =	sor.u32 $0x2280, s23;
	[tilespmem:s22+$0xB100] =	vst v1  }
0xa6: {  	v1 =	vld [tilespmem:s24+$0x0];
	_ =	sdelay $0x4  }
0xa7: {  	s25 =	sor.u32 $0x2300, s23;
	[tilespmem:s22+$0xB180] =	vst v1  }
0xa8: {  	v1 =	vld [tilespmem:s25+$0x0];
	_ =	sdelay $0x4  }
0xa9: {  	s26 =	sor.u32 $0x2380, s23;
	[tilespmem:s11+$0x9000] =	vst v1  }
0xaa: {  	v1 =	vld [tilespmem:s26+$0x0];
	_ =	sdelay $0x4  }
0xab: {  	s29 =	sor.u32 $0x3000, s22;
	[tilespmem:s24+$0x9000] =	vst v1  }
0xac: {  	v1 =	vld [tilespmem:s29+$0x0];
	_ =	sdelay $0x4  }
0xad: {  	s30 =	sor.u32 $0x3080, s22;
	[tilespmem:s25+$0x9000] =	vst v1  }
0xae: {  	v1 =	vld [tilespmem:s30+$0x0];
	_ =	sdelay $0x4  }
0xaf: {  	s31 =	sor.u32 $0x3100, s22;
	[tilespmem:s26+$0x9000] =	vst v1  }
0xb0: {  	v1 =	vld [tilespmem:s31+$0x0];
	_ =	sdelay $0x4  }
0xb1: {  	s1 =	sor.u32 $0x3180, s22;
	[tilespmem:s22+$0xC000] =	vst v1  }
0xb2: {  	v1 =	vld [tilespmem:s1+$0x0];
	_ =	sdelay $0x4  }
0xb3: {  	s2 =	sor.u32 $0x3200, s23;
	[tilespmem:s22+$0xC080] =	vst v1  }
0xb4: {  	v1 =	vld [tilespmem:s2+$0x0];
	_ =	sdelay $0x4  }
0xb5: {  	s5 =	sor.u32 $0x3280, s23;
	[tilespmem:s22+$0xC100] =	vst v1  }
0xb6: {  	v1 =	vld [tilespmem:s5+$0x0];
	_ =	sdelay $0x4  }
0xb7: {  	s6 =	sor.u32 $0x3300, s23;
	[tilespmem:s22+$0xC180] =	vst v1  }
0xb8: {  	v1 =	vld [tilespmem:s6+$0x0];
	_ =	sdelay $0x4  }
0xb9: {  	s7 =	sor.u32 $0x3380, s23;
	[tilespmem:s2+$0x9000] =	vst v1  }
0xba: {  	v1 =	vld [tilespmem:s7+$0x0];
	_ =	sdelay $0x4  }
0xbb: {  	s9 =	sor.u32 $0x4000, s22;
	[tilespmem:s5+$0x9000] =	vst v1  }
0xbc: {  	v1 =	vld [tilespmem:s9+$0x0];
	_ =	sdelay $0x4  }
0xbd: {  	s10 =	sor.u32 $0x4080, s22;
	[tilespmem:s6+$0x9000] =	vst v1  }
0xbe: {  	v1 =	vld [tilespmem:s10+$0x0];
	_ =	sdelay $0x4  }
0xbf: {  	s11 =	sor.u32 $0x4100, s22;
	[tilespmem:s7+$0x9000] =	vst v1  }
0xc0: {  	v1 =	vld [tilespmem:s11+$0x0];
	_ =	sdelay $0x4  }
0xc1: {  	s24 =	sor.u32 $0x4180, s22;
	[tilespmem:s22+$0xD000] =	vst v1  }
0xc2: {  	v1 =	vld [tilespmem:s24+$0x0];
	_ =	sdelay $0x4  }
0xc3: {  	s25 =	sor.u32 $0x4200, s23;
	[tilespmem:s22+$0xD080] =	vst v1  }
0xc4: {  	v1 =	vld [tilespmem:s25+$0x0];
	_ =	sdelay $0x4  }
0xc5: {  	s26 =	sor.u32 $0x4280, s23;
	[tilespmem:s22+$0xD100] =	vst v1  }
0xc6: {  	v1 =	vld [tilespmem:s26+$0x0];
	_ =	sdelay $0x4  }
0xc7: {  	s29 =	sor.u32 $0x4300, s23;
	[tilespmem:s22+$0xD180] =	vst v1  }
0xc8: {  	v1 =	vld [tilespmem:s29+$0x0];
	_ =	sdelay $0x4  }
0xc9: {  	s30 =	sor.u32 $0x4380, s23;
	[tilespmem:s25+$0x9000] =	vst v1  }
0xca: {  	v1 =	vld [tilespmem:s30+$0x0];
	_ =	sdelay $0x4  }
0xcb: {  	s31 =	sor.u32 $0x5000, s22;
	[tilespmem:s26+$0x9000] =	vst v1  }
0xcc: {  	v1 =	vld [tilespmem:s31+$0x0];
	_ =	sdelay $0x4  }
0xcd: {  	s5 =	sor.u32 $0x5080, s22;
	[tilespmem:s29+$0x9000] =	vst v1  }
0xce: {  	v1 =	vld [tilespmem:s5+$0x0];
	_ =	sdelay $0x4  }
0xcf: {  	s6 =	sor.u32 $0x5100, s22;
	[tilespmem:s30+$0x9000] =	vst v1  }
0xd0: {  	v1 =	vld [tilespmem:s6+$0x0];
	_ =	sdelay $0x4  }
0xd1: {  	s7 =	sor.u32 $0x5180, s22;
	[tilespmem:s22+$0xE000] =	vst v1  }
0xd2: {  	v1 =	vld [tilespmem:s7+$0x0];
	_ =	sdelay $0x4  }
0xd3: {  	s0 =	sor.u32 $0x5200, s23;
	[tilespmem:s22+$0xE080] =	vst v1  }
0xd4: {  	v1 =	vld [tilespmem:s0+$0x0];
	_ =	sdelay $0x4  }
0xd5: {  	s31 =	sor.u32 $0x5280, s23;
	[tilespmem:s22+$0xE100] =	vst v1  }
0xd6: {  	v1 =	vld [tilespmem:s31+$0x0]  }
0xd7: {  	s29 =	sor.u32 $0x10, s28  }
0xd8: {  	s9 =	sor.u32 s20, s29  }
0xd9: {  	s7 =	sshll.u32 s9, $0x3  }
0xda: {  	s1 =	sor.u32 $0x20, s28;
	s2 =	sand.u32 $0xC00, s7  }
0xdb: {  	s5 =	sor.u32 s20, s1;
	s30 =	sor.u32 $0x30, s28;
	s24 =	sor.u32 s29, s2;
	[tilespmem:s22+$0xE180] =	vst v1  }
0xdc: {  	s10 =	sor.u32 s20, s30;
	s9 =	sshll.u32 s5, $0x3;
	v2 =	vld [tilespmem:s24+$0x0]  }
0xdd: {  	s10 =	sshll.u32 s10, $0x3;
	s6 =	sand.u32 $0xC00, s9;
	s25 =	sor.u32 $0x2100, s24  }
0xde: {  	s5 =	sand.u32 $0xC00, s10;
	v1 =	vld [tilespmem:s25+$0x0];
	s25 =	sor.u32 s1, s6  }
0xdf: {  	s26 =	sor.u32 s30, s5;
	v4 =	vld [tilespmem:s25+$0x0]  }
0xe0: {  	v5 =	vld [tilespmem:s26+$0x0]  }
0xe1: {  	s11 =	sor.u32 $0x80, s24;
	[tilespmem:s24+$0x9000] =	vst v2  }
0xe2: {  	v6 =	vld [tilespmem:s11+$0x0];
	s11 =	sor.u32 $0x2100, s25  }
0xe3: {  	v3 =	vld [tilespmem:s11+$0x0];
	s11 =	sor.u32 $0x2100, s26  }
0xe4: {  	[tilespmem:s25+$0x9000] =	vst v4;
	v34 =	vld [tilespmem:s11+$0x0];
	s11 =	sor.u32 $0x80, s25  }
0xe5: {  	[tilespmem:s26+$0x9000] =	vst v5;
	v4 =	vld [tilespmem:s11+$0x0];
	s11 =	sor.u32 $0x80, s26  }
0xe6: {  	v5 =	vld [tilespmem:s11+$0x0];
	_ =	sdelay $0x2  }
0xe7: {  	s11 =	sor.u32 $0x100, s24;
	[tilespmem:s24+$0x9080] =	vst v6  }
0xe8: {  	v6 =	vld [tilespmem:s11+$0x0];
	s11 =	sor.u32 $0x100, s25;
	[tilespmem:s25+$0x9080] =	vst v4  }
0xe9: {  	v4 =	vld [tilespmem:s11+$0x0];
	[tilespmem:s26+$0x9080] =	vst v5;
	s11 =	sor.u32 $0x100, s26  }
0xea: {  	v5 =	vld [tilespmem:s11+$0x0];
	_ =	sdelay $0x2  }
0xeb: {  	s11 =	sor.u32 $0x180, s24;
	[tilespmem:s24+$0x9100] =	vst v6  }
0xec: {  	v6 =	vld [tilespmem:s11+$0x0];
	s11 =	sor.u32 $0x180, s25;
	[tilespmem:s25+$0x9100] =	vst v4  }
0xed: {  	v4 =	vld [tilespmem:s11+$0x0];
	[tilespmem:s26+$0x9100] =	vst v5;
	s11 =	sor.u32 $0x180, s26  }
0xee: {  	v5 =	vld [tilespmem:s11+$0x0];
	_ =	sdelay $0x2  }
0xef: {  	s11 =	sor.u32 $0x200, s24;
	[tilespmem:s24+$0x9180] =	vst v6  }
0xf0: {  	v6 =	vld [tilespmem:s11+$0x0];
	s11 =	sor.u32 $0x200, s25;
	[tilespmem:s25+$0x9180] =	vst v4  }
0xf1: {  	v4 =	vld [tilespmem:s11+$0x0];
	[tilespmem:s26+$0x9180] =	vst v5;
	s11 =	sor.u32 $0x200, s26  }
0xf2: {  	v5 =	vld [tilespmem:s11+$0x0];
	_ =	sdelay $0x2  }
0xf3: {  	s11 =	sor.u32 $0x280, s24;
	[tilespmem:s24+$0x9200] =	vst v6  }
0xf4: {  	v6 =	vld [tilespmem:s11+$0x0];
	s11 =	sor.u32 $0x280, s25;
	[tilespmem:s25+$0x9200] =	vst v4  }
0xf5: {  	v4 =	vld [tilespmem:s11+$0x0];
	[tilespmem:s26+$0x9200] =	vst v5;
	s11 =	sor.u32 $0x280, s26  }
0xf6: {  	v5 =	vld [tilespmem:s11+$0x0];
	_ =	sdelay $0x2  }
0xf7: {  	s11 =	sor.u32 $0x300, s24;
	[tilespmem:s24+$0x9280] =	vst v6  }
0xf8: {  	v6 =	vld [tilespmem:s11+$0x0];
	s11 =	sor.u32 $0x300, s25;
	[tilespmem:s25+$0x9280] =	vst v4  }
0xf9: {  	v4 =	vld [tilespmem:s11+$0x0];
	[tilespmem:s26+$0x9280] =	vst v5;
	s11 =	sor.u32 $0x300, s26  }
0xfa: {  	v5 =	vld [tilespmem:s11+$0x0];
	_ =	sdelay $0x1  }
0xfb: {  	s7 =	sor.u32 s7, s28  }
0xfc: {  	s9 =	sor.u32 s9, s28;
	s7 =	sor.u32 $0x310, s7;
	[tilespmem:s24+$0x9300] =	vst v6  }
0xfd: {  	s10 =	sor.u32 s10, s28;
	s9 =	sor.u32 $0x2A0, s9;
	v6 =	vld [tilespmem:s7+$0x0];
	[tilespmem:s25+$0x9300] =	vst v4  }
0xfe: {  	s10 =	sor.u32 $0x230, s10;
	v4 =	vld [tilespmem:s9+$0x0];
	[tilespmem:s26+$0x9300] =	vst v5  }
0xff: {  	v5 =	vld [tilespmem:s10+$0x0];
	_ =	sdelay $0x2  }
0x100: {  	s11 =	sor.u32 $0x1000, s24;
	[tilespmem:s7+$0x9000] =	vst v6  }
0x101: {  	v6 =	vld [tilespmem:s11+$0x0];
	s11 =	sor.u32 $0x1000, s25;
	[tilespmem:s9+$0x9000] =	vst v4  }
0x102: {  	s9 =	sor.u32 $0x1000, s26;
	v4 =	vld [tilespmem:s11+$0x0];
	[tilespmem:s10+$0x9000] =	vst v5  }
0x103: {  	v5 =	vld [tilespmem:s9+$0x0];
	_ =	sdelay $0x2  }
0x104: {  	s10 =	sor.u32 $0x1080, s24;
	[tilespmem:s24+$0xA000] =	vst v6  }
0x105: {  	s11 =	sor.u32 $0x1080, s25;
	v6 =	vld [tilespmem:s10+$0x0];
	[tilespmem:s25+$0xA000] =	vst v4  }
0x106: {  	s9 =	sor.u32 $0x1080, s26;
	v4 =	vld [tilespmem:s11+$0x0];
	[tilespmem:s26+$0xA000] =	vst v5  }
0x107: {  	v5 =	vld [tilespmem:s9+$0x0];
	_ =	sdelay $0x2  }
0x108: {  	s10 =	sor.u32 $0x1100, s24;
	[tilespmem:s24+$0xA080] =	vst v6  }
0x109: {  	s11 =	sor.u32 $0x1100, s25;
	v6 =	vld [tilespmem:s10+$0x0];
	[tilespmem:s25+$0xA080] =	vst v4  }
0x10a: {  	s9 =	sor.u32 $0x1100, s26;
	v4 =	vld [tilespmem:s11+$0x0];
	[tilespmem:s26+$0xA080] =	vst v5  }
0x10b: {  	v5 =	vld [tilespmem:s9+$0x0];
	_ =	sdelay $0x2  }
0x10c: {  	s10 =	sor.u32 $0x1180, s24;
	[tilespmem:s24+$0xA100] =	vst v6  }
0x10d: {  	s11 =	sor.u32 $0x1180, s25;
	v6 =	vld [tilespmem:s10+$0x0];
	[tilespmem:s25+$0xA100] =	vst v4  }
0x10e: {  	s9 =	sor.u32 $0x1180, s26;
	v4 =	vld [tilespmem:s11+$0x0];
	[tilespmem:s26+$0xA100] =	vst v5  }
0x10f: {  	v5 =	vld [tilespmem:s9+$0x0];
	_ =	sdelay $0x2  }
0x110: {  	s10 =	sor.u32 $0x1200, s24;
	[tilespmem:s24+$0xA180] =	vst v6  }
0x111: {  	s11 =	sor.u32 $0x1200, s25;
	v6 =	vld [tilespmem:s10+$0x0];
	[tilespmem:s25+$0xA180] =	vst v4  }
0x112: {  	s9 =	sor.u32 $0x1200, s26;
	v4 =	vld [tilespmem:s11+$0x0];
	[tilespmem:s26+$0xA180] =	vst v5  }
0x113: {  	v5 =	vld [tilespmem:s9+$0x0];
	_ =	sdelay $0x2  }
0x114: {  	s10 =	sor.u32 $0x1280, s24;
	[tilespmem:s24+$0xA200] =	vst v6  }
0x115: {  	s11 =	sor.u32 $0x1280, s25;
	v6 =	vld [tilespmem:s10+$0x0];
	[tilespmem:s25+$0xA200] =	vst v4  }
0x116: {  	s9 =	sor.u32 $0x1280, s26;
	v4 =	vld [tilespmem:s11+$0x0];
	[tilespmem:s26+$0xA200] =	vst v5  }
0x117: {  	v5 =	vld [tilespmem:s9+$0x0];
	_ =	sdelay $0x2  }
0x118: {  	s10 =	sor.u32 $0x1300, s24;
	[tilespmem:s24+$0xA280] =	vst v6  }
0x119: {  	s11 =	sor.u32 $0x1300, s25;
	v6 =	vld [tilespmem:s10+$0x0];
	[tilespmem:s25+$0xA280] =	vst v4  }
0x11a: {  	s9 =	sor.u32 $0x1300, s26;
	v4 =	vld [tilespmem:s11+$0x0];
	[tilespmem:s26+$0xA280] =	vst v5  }
0x11b: {  	v5 =	vld [tilespmem:s9+$0x0];
	_ =	sdelay $0x2  }
0x11c: {  	s10 =	sor.u32 $0x1380, s24;
	[tilespmem:s24+$0xA300] =	vst v6  }
0x11d: {  	s11 =	sor.u32 $0x1380, s25;
	v6 =	vld [tilespmem:s10+$0x0];
	[tilespmem:s25+$0xA300] =	vst v4  }
0x11e: {  	s9 =	sor.u32 $0x1380, s26;
	v4 =	vld [tilespmem:s11+$0x0];
	[tilespmem:s26+$0xA300] =	vst v5  }
0x11f: {  	v5 =	vld [tilespmem:s9+$0x0];
	_ =	sdelay $0x2  }
0x120: {  	s10 =	sor.u32 $0x2080, s24;
	[tilespmem:s24+$0xA380] =	vst v6  }
0x121: {  	s11 =	sor.u32 $0x2080, s25;
	v6 =	vld [tilespmem:s10+$0x0];
	[tilespmem:s25+$0xA380] =	vst v4  }
0x122: {  	s9 =	sor.u32 $0x2080, s26;
	v4 =	vld [tilespmem:s11+$0x0];
	[tilespmem:s26+$0xA380] =	vst v5  }
0x123: {  	v5 =	vld [tilespmem:s9+$0x0];
	_ =	sdelay $0x1  }
0x124: {  	s28 =	sadd.s32 s29, s2  }
0x125: {  	s29 =	sadd.s32 s1, s6;
	s10 =	sor.u32 $0x2180, s24;
	[tilespmem:s28+$0xB000] =	vst v6  }
0x126: {  	s30 =	sadd.s32 s30, s5;
	s11 =	sor.u32 $0x2180, s25;
	v6 =	vld [tilespmem:s10+$0x0];
	[tilespmem:s29+$0xB000] =	vst v4  }
0x127: {  	s2 =	sor.u32 $0x2180, s26;
	v4 =	vld [tilespmem:s11+$0x0];
	[tilespmem:s30+$0xB000] =	vst v5  }
0x128: {  	v5 =	vld [tilespmem:s2+$0x0];
	_ =	sdelay $0x2  }
0x129: {  	s5 =	sor.u32 $0x2200, s24;
	[tilespmem:s24+$0xB080] =	vst v6  }
0x12a: {  	s6 =	sor.u32 $0x2200, s25;
	v6 =	vld [tilespmem:s5+$0x0];
	[tilespmem:s25+$0xB080] =	vst v4  }
0x12b: {  	s7 =	sor.u32 $0x2200, s26;
	v4 =	vld [tilespmem:s6+$0x0];
	[tilespmem:s26+$0xB080] =	vst v5  }
0x12c: {  	v5 =	vld [tilespmem:s7+$0x0];
	_ =	sdelay $0x2  }
0x12d: {  	s9 =	sor.u32 $0x2280, s24;
	[tilespmem:s24+$0xB100] =	vst v6  }
0x12e: {  	s10 =	sor.u32 $0x2280, s25;
	v6 =	vld [tilespmem:s9+$0x0];
	[tilespmem:s25+$0xB100] =	vst v4  }
0x12f: {  	s11 =	sor.u32 $0x2280, s26;
	v4 =	vld [tilespmem:s10+$0x0];
	[tilespmem:s26+$0xB100] =	vst v5  }
0x130: {  	v5 =	vld [tilespmem:s11+$0x0];
	_ =	sdelay $0x2  }
0x131: {  	s2 =	sor.u32 $0x2300, s24;
	[tilespmem:s24+$0xB180] =	vst v6  }
0x132: {  	s5 =	sor.u32 $0x2300, s25;
	v6 =	vld [tilespmem:s2+$0x0];
	[tilespmem:s25+$0xB180] =	vst v4  }
0x133: {  	s6 =	sor.u32 $0x2300, s26;
	v4 =	vld [tilespmem:s5+$0x0];
	[tilespmem:s26+$0xB180] =	vst v5  }
0x134: {  	v5 =	vld [tilespmem:s6+$0x0];
	_ =	sdelay $0x2  }
0x135: {  	s7 =	sor.u32 $0x2380, s24;
	[tilespmem:s24+$0xB200] =	vst v6  }
0x136: {  	s9 =	sor.u32 $0x2380, s25;
	v6 =	vld [tilespmem:s7+$0x0];
	[tilespmem:s25+$0xB200] =	vst v4  }
0x137: {  	s10 =	sor.u32 $0x2380, s26;
	v4 =	vld [tilespmem:s9+$0x0];
	[tilespmem:s26+$0xB200] =	vst v5  }
0x138: {  	v5 =	vld [tilespmem:s10+$0x0];
	_ =	sdelay $0x2  }
0x139: {  	s11 =	sor.u32 $0x3000, s24;
	[tilespmem:s24+$0xB280] =	vst v6  }
0x13a: {  	s2 =	sor.u32 $0x3000, s25;
	v6 =	vld [tilespmem:s11+$0x0];
	[tilespmem:s25+$0xB280] =	vst v4  }
0x13b: {  	s5 =	sor.u32 $0x3000, s26;
	v4 =	vld [tilespmem:s2+$0x0];
	[tilespmem:s26+$0xB280] =	vst v5  }
0x13c: {  	v5 =	vld [tilespmem:s5+$0x0];
	_ =	sdelay $0x2  }
0x13d: {  	s6 =	sor.u32 $0x3080, s24;
	[tilespmem:s24+$0xB300] =	vst v6  }
0x13e: {  	s7 =	sor.u32 $0x3080, s25;
	v6 =	vld [tilespmem:s6+$0x0];
	[tilespmem:s25+$0xB300] =	vst v4  }
0x13f: {  	s9 =	sor.u32 $0x3080, s26;
	v4 =	vld [tilespmem:s7+$0x0];
	[tilespmem:s26+$0xB300] =	vst v5  }
0x140: {  	v5 =	vld [tilespmem:s9+$0x0];
	_ =	sdelay $0x2  }
0x141: {  	s10 =	sor.u32 $0x3100, s24;
	[tilespmem:s24+$0xB380] =	vst v6  }
0x142: {  	s11 =	sor.u32 $0x3100, s25;
	v6 =	vld [tilespmem:s10+$0x0];
	[tilespmem:s25+$0xB380] =	vst v4  }
0x143: {  	s2 =	sor.u32 $0x3100, s26;
	v4 =	vld [tilespmem:s11+$0x0];
	[tilespmem:s26+$0xB380] =	vst v5  }
0x144: {  	v5 =	vld [tilespmem:s2+$0x0];
	_ =	sdelay $0x2  }
0x145: {  	s5 =	sor.u32 $0x3180, s24;
	[tilespmem:s24+$0xC000] =	vst v6  }
0x146: {  	s6 =	sor.u32 $0x3180, s25;
	v6 =	vld [tilespmem:s5+$0x0];
	[tilespmem:s25+$0xC000] =	vst v4  }
0x147: {  	s7 =	sor.u32 $0x3180, s26;
	v4 =	vld [tilespmem:s6+$0x0];
	[tilespmem:s26+$0xC000] =	vst v5  }
0x148: {  	v5 =	vld [tilespmem:s7+$0x0];
	_ =	sdelay $0x2  }
0x149: {  	s9 =	sor.u32 $0x3200, s24;
	[tilespmem:s24+$0xC080] =	vst v6  }
0x14a: {  	s10 =	sor.u32 $0x3200, s25;
	v6 =	vld [tilespmem:s9+$0x0];
	[tilespmem:s25+$0xC080] =	vst v4  }
0x14b: {  	s11 =	sor.u32 $0x3200, s26;
	v4 =	vld [tilespmem:s10+$0x0];
	[tilespmem:s26+$0xC080] =	vst v5  }
0x14c: {  	v5 =	vld [tilespmem:s11+$0x0];
	_ =	sdelay $0x2  }
0x14d: {  	s2 =	sor.u32 $0x3280, s24;
	[tilespmem:s24+$0xC100] =	vst v6  }
0x14e: {  	s5 =	sor.u32 $0x3280, s25;
	v6 =	vld [tilespmem:s2+$0x0];
	[tilespmem:s25+$0xC100] =	vst v4  }
0x14f: {  	s6 =	sor.u32 $0x3280, s26;
	v4 =	vld [tilespmem:s5+$0x0];
	[tilespmem:s26+$0xC100] =	vst v5  }
0x150: {  	v5 =	vld [tilespmem:s6+$0x0];
	_ =	sdelay $0x2  }
0x151: {  	s7 =	sor.u32 $0x3300, s24;
	[tilespmem:s24+$0xC180] =	vst v6  }
0x152: {  	s9 =	sor.u32 $0x3300, s25;
	v6 =	vld [tilespmem:s7+$0x0];
	[tilespmem:s25+$0xC180] =	vst v4  }
0x153: {  	s10 =	sor.u32 $0x3300, s26;
	v4 =	vld [tilespmem:s9+$0x0];
	[tilespmem:s26+$0xC180] =	vst v5  }
0x154: {  	v5 =	vld [tilespmem:s10+$0x0];
	_ =	sdelay $0x2  }
0x155: {  	s11 =	sor.u32 $0x3380, s24;
	[tilespmem:s24+$0xC200] =	vst v6  }
0x156: {  	s2 =	sor.u32 $0x3380, s25;
	v6 =	vld [tilespmem:s11+$0x0];
	[tilespmem:s25+$0xC200] =	vst v4  }
0x157: {  	s5 =	sor.u32 $0x3380, s26;
	v4 =	vld [tilespmem:s2+$0x0];
	[tilespmem:s26+$0xC200] =	vst v5  }
0x158: {  	v5 =	vld [tilespmem:s5+$0x0];
	_ =	sdelay $0x2  }
0x159: {  	s6 =	sor.u32 $0x4000, s24;
	[tilespmem:s24+$0xC280] =	vst v6  }
0x15a: {  	s7 =	sor.u32 $0x4000, s25;
	v6 =	vld [tilespmem:s6+$0x0];
	[tilespmem:s25+$0xC280] =	vst v4  }
0x15b: {  	s9 =	sor.u32 $0x4000, s26;
	v4 =	vld [tilespmem:s7+$0x0];
	[tilespmem:s26+$0xC280] =	vst v5  }
0x15c: {  	v5 =	vld [tilespmem:s9+$0x0];
	_ =	sdelay $0x2  }
0x15d: {  	s10 =	sor.u32 $0x4080, s24;
	[tilespmem:s24+$0xC300] =	vst v6  }
0x15e: {  	s11 =	sor.u32 $0x4080, s25;
	v6 =	vld [tilespmem:s10+$0x0];
	[tilespmem:s25+$0xC300] =	vst v4  }
0x15f: {  	s2 =	sor.u32 $0x4080, s26;
	v4 =	vld [tilespmem:s11+$0x0];
	[tilespmem:s26+$0xC300] =	vst v5  }
0x160: {  	v5 =	vld [tilespmem:s2+$0x0];
	_ =	sdelay $0x2  }
0x161: {  	s5 =	sor.u32 $0x4100, s24;
	[tilespmem:s24+$0xC380] =	vst v6  }
0x162: {  	s6 =	sor.u32 $0x4100, s25;
	v6 =	vld [tilespmem:s5+$0x0];
	[tilespmem:s25+$0xC380] =	vst v4  }
0x163: {  	s7 =	sor.u32 $0x4100, s26;
	v4 =	vld [tilespmem:s6+$0x0];
	[tilespmem:s26+$0xC380] =	vst v5  }
0x164: {  	v5 =	vld [tilespmem:s7+$0x0];
	_ =	sdelay $0x2  }
0x165: {  	s9 =	sor.u32 $0x4180, s24;
	[tilespmem:s24+$0xD000] =	vst v6  }
0x166: {  	s10 =	sor.u32 $0x4180, s25;
	v6 =	vld [tilespmem:s9+$0x0];
	[tilespmem:s25+$0xD000] =	vst v4  }
0x167: {  	s11 =	sor.u32 $0x4180, s26;
	v4 =	vld [tilespmem:s10+$0x0];
	[tilespmem:s26+$0xD000] =	vst v5  }
0x168: {  	v5 =	vld [tilespmem:s11+$0x0];
	_ =	sdelay $0x2  }
0x169: {  	s2 =	sor.u32 $0x4200, s24;
	[tilespmem:s24+$0xD080] =	vst v6  }
0x16a: {  	s5 =	sor.u32 $0x4200, s25;
	v6 =	vld [tilespmem:s2+$0x0];
	[tilespmem:s25+$0xD080] =	vst v4  }
0x16b: {  	s6 =	sor.u32 $0x4200, s26;
	v4 =	vld [tilespmem:s5+$0x0];
	[tilespmem:s26+$0xD080] =	vst v5  }
0x16c: {  	v5 =	vld [tilespmem:s6+$0x0];
	_ =	sdelay $0x2  }
0x16d: {  	s7 =	sor.u32 $0x4280, s24;
	[tilespmem:s24+$0xD100] =	vst v6  }
0x16e: {  	s9 =	sor.u32 $0x4280, s25;
	v6 =	vld [tilespmem:s7+$0x0];
	[tilespmem:s25+$0xD100] =	vst v4  }
0x16f: {  	s10 =	sor.u32 $0x4280, s26;
	v4 =	vld [tilespmem:s9+$0x0];
	[tilespmem:s26+$0xD100] =	vst v5  }
0x170: {  	v5 =	vld [tilespmem:s10+$0x0];
	_ =	sdelay $0x2  }
0x171: {  	s11 =	sor.u32 $0x4300, s24;
	[tilespmem:s24+$0xD180] =	vst v6  }
0x172: {  	s2 =	sor.u32 $0x4300, s25;
	v6 =	vld [tilespmem:s11+$0x0];
	[tilespmem:s25+$0xD180] =	vst v4  }
0x173: {  	s5 =	sor.u32 $0x4300, s26;
	v4 =	vld [tilespmem:s2+$0x0];
	[tilespmem:s26+$0xD180] =	vst v5  }
0x174: {  	v5 =	vld [tilespmem:s5+$0x0];
	_ =	sdelay $0x2  }
0x175: {  	s6 =	sor.u32 $0x4380, s24;
	[tilespmem:s24+$0xD200] =	vst v6  }
0x176: {  	s7 =	sor.u32 $0x4380, s25;
	v6 =	vld [tilespmem:s6+$0x0];
	[tilespmem:s25+$0xD200] =	vst v4  }
0x177: {  	s9 =	sor.u32 $0x4380, s26;
	v4 =	vld [tilespmem:s7+$0x0];
	[tilespmem:s26+$0xD200] =	vst v5  }
0x178: {  	v5 =	vld [tilespmem:s9+$0x0];
	_ =	sdelay $0x2  }
0x179: {  	s10 =	sor.u32 $0x5000, s24;
	[tilespmem:s24+$0xD280] =	vst v6  }
0x17a: {  	s11 =	sor.u32 $0x5000, s25;
	v6 =	vld [tilespmem:s10+$0x0];
	[tilespmem:s25+$0xD280] =	vst v4  }
0x17b: {  	s2 =	sor.u32 $0x5000, s26;
	v4 =	vld [tilespmem:s11+$0x0];
	[tilespmem:s26+$0xD280] =	vst v5  }
0x17c: {  	v5 =	vld [tilespmem:s2+$0x0];
	_ =	sdelay $0x2  }
0x17d: {  	s5 =	sor.u32 $0x5080, s24;
	[tilespmem:s24+$0xD300] =	vst v6  }
0x17e: {  	s6 =	sor.u32 $0x5080, s25;
	v6 =	vld [tilespmem:s5+$0x0];
	[tilespmem:s25+$0xD300] =	vst v4  }
0x17f: {  	s7 =	sor.u32 $0x5080, s26;
	v4 =	vld [tilespmem:s6+$0x0];
	[tilespmem:s26+$0xD300] =	vst v5  }
0x180: {  	v5 =	vld [tilespmem:s7+$0x0];
	_ =	sdelay $0x2  }
0x181: {  	s9 =	sor.u32 $0x5100, s24;
	[tilespmem:s24+$0xD380] =	vst v6  }
0x182: {  	s10 =	sor.u32 $0x5100, s25;
	v6 =	vld [tilespmem:s9+$0x0];
	[tilespmem:s25+$0xD380] =	vst v4  }
0x183: {  	s11 =	sor.u32 $0x5100, s26;
	v4 =	vld [tilespmem:s10+$0x0];
	[tilespmem:s26+$0xD380] =	vst v5  }
0x184: {  	v5 =	vld [tilespmem:s11+$0x0];
	_ =	sdelay $0x2  }
0x185: {  	s2 =	sor.u32 $0x5180, s24;
	[tilespmem:s24+$0xE000] =	vst v6  }
0x186: {  	s5 =	sor.u32 $0x5180, s25;
	v6 =	vld [tilespmem:s2+$0x0];
	[tilespmem:s25+$0xE000] =	vst v4  }
0x187: {  	s6 =	sor.u32 $0x5180, s26;
	v4 =	vld [tilespmem:s5+$0x0];
	[tilespmem:s26+$0xE000] =	vst v5  }
0x188: {  	v5 =	vld [tilespmem:s6+$0x0];
	_ =	sdelay $0x2  }
0x189: {  	s7 =	sor.u32 $0x5200, s24;
	[tilespmem:s24+$0xE080] =	vst v6  }
0x18a: {  	s9 =	sor.u32 $0x5200, s25;
	v6 =	vld [tilespmem:s7+$0x0];
	[tilespmem:s25+$0xE080] =	vst v4  }
0x18b: {  	s10 =	sor.u32 $0x5200, s26;
	v4 =	vld [tilespmem:s9+$0x0];
	[tilespmem:s26+$0xE080] =	vst v5  }
0x18c: {  	v5 =	vld [tilespmem:s10+$0x0];
	_ =	sdelay $0x2  }
0x18d: {  	s11 =	sor.u32 $0x5280, s24;
	[tilespmem:s24+$0xE100] =	vst v6  }
0x18e: {  	s2 =	sor.u32 $0x5280, s25;
	v6 =	vld [tilespmem:s11+$0x0];
	[tilespmem:s25+$0xE100] =	vst v4  }
0x18f: {  	s5 =	sor.u32 $0x5280, s26;
	v4 =	vld [tilespmem:s2+$0x0];
	[tilespmem:s26+$0xE100] =	vst v5  }
0x190: {  	v5 =	vld [tilespmem:s5+$0x0];
	_ =	sdelay $0x1  }
0x191: {  	s1 =	sor.u32 $0x5300, s23  }
0x192: {  	v7 =	vld [tilespmem:s1+$0x0];
	s6 =	sor.u32 $0x5300, s24;
	[tilespmem:s24+$0xE180] =	vst v6  }
0x193: {  	s7 =	sor.u32 $0x5300, s25;
	v6 =	vld [tilespmem:s6+$0x0];
	[tilespmem:s25+$0xE180] =	vst v4  }
0x194: {  	s9 =	sor.u32 $0x5300, s26;
	v4 =	vld [tilespmem:s7+$0x0];
	[tilespmem:s26+$0xE180] =	vst v5  }
0x195: {  	v5 =	vld [tilespmem:s9+$0x0];
	_ =	sdelay $0x1  }
0x196: {  	[tilespmem:s0+$0x9000] =	vst v7;
	s0 =	sor.u32 $0x5380, s23  }
0x197: {  	v7 =	vld [tilespmem:s0+$0x0];
	s10 =	sor.u32 $0x5380, s24;
	[tilespmem:s24+$0xE200] =	vst v6  }
0x198: {  	s11 =	sor.u32 $0x5380, s25;
	v6 =	vld [tilespmem:s10+$0x0];
	[tilespmem:s25+$0xE200] =	vst v4  }
0x199: {  	s5 =	sor.u32 $0x5380, s26;
	v4 =	vld [tilespmem:s11+$0x0];
	[tilespmem:s26+$0xE200] =	vst v5  }
0x19a: {  	v5 =	vld [tilespmem:s5+$0x0];
	_ =	sdelay $0x1  }
0x19b: {  	[tilespmem:s31+$0x9000] =	vst v7;
	s6 =	sor.u32 $0x6000, s22  }
0x19c: {  	v7 =	vld [tilespmem:s6+$0x0];
	s7 =	sor.u32 $0x6000, s24;
	[tilespmem:s24+$0xE280] =	vst v6  }
0x19d: {  	s9 =	sor.u32 $0x6000, s25;
	v6 =	vld [tilespmem:s7+$0x0];
	[tilespmem:s25+$0xE280] =	vst v4  }
0x19e: {  	s10 =	sor.u32 $0x6000, s26;
	v4 =	vld [tilespmem:s9+$0x0];
	[tilespmem:s26+$0xE280] =	vst v5  }
0x19f: {  	v5 =	vld [tilespmem:s10+$0x0];
	_ =	sdelay $0x1  }
0x1a0: {  	[tilespmem:s1+$0x9000] =	vst v7;
	s11 =	sor.u32 $0x6080, s22  }
0x1a1: {  	s31 =	sor.u32 $0x6080, s24;
	v7 =	vld [tilespmem:s11+$0x0];
	[tilespmem:s24+$0xE300] =	vst v6  }
0x1a2: {  	s2 =	sor.u32 $0x6080, s25;
	v6 =	vld [tilespmem:s31+$0x0];
	[tilespmem:s25+$0xE300] =	vst v4  }
0x1a3: {  	s5 =	sor.u32 $0x6080, s26;
	v4 =	vld [tilespmem:s2+$0x0];
	[tilespmem:s26+$0xE300] =	vst v5  }
0x1a4: {  	v5 =	vld [tilespmem:s5+$0x0];
	_ =	sdelay $0x1  }
0x1a5: {  	s6 =	sor.u32 $0x6100, s22;
	[tilespmem:s0+$0x9000] =	vst v7  }
0x1a6: {  	s7 =	sor.u32 $0x6100, s24;
	v7 =	vld [tilespmem:s6+$0x0];
	[tilespmem:s24+$0xE380] =	vst v6  }
0x1a7: {  	s9 =	sor.u32 $0x6100, s25;
	v6 =	vld [tilespmem:s7+$0x0];
	[tilespmem:s25+$0xE380] =	vst v4  }
0x1a8: {  	s10 =	sor.u32 $0x6100, s26;
	v4 =	vld [tilespmem:s9+$0x0];
	[tilespmem:s26+$0xE380] =	vst v5  }
0x1a9: {  	v5 =	vld [tilespmem:s10+$0x0];
	_ =	sdelay $0x1  }
0x1aa: {  	s11 =	sor.u32 $0x6180, s22;
	[tilespmem:s22+$0xF000] =	vst v7  }
0x1ab: {  	s31 =	sor.u32 $0x6180, s24;
	v7 =	vld [tilespmem:s11+$0x0];
	[tilespmem:s24+$0xF000] =	vst v6  }
0x1ac: {  	s1 =	sor.u32 $0x6180, s25;
	v6 =	vld [tilespmem:s31+$0x0];
	[tilespmem:s25+$0xF000] =	vst v4  }
0x1ad: {  	s2 =	sor.u32 $0x6180, s26;
	v4 =	vld [tilespmem:s1+$0x0];
	[tilespmem:s26+$0xF000] =	vst v5  }
0x1ae: {  	v5 =	vld [tilespmem:s2+$0x0];
	_ =	sdelay $0x1  }
0x1af: {  	s0 =	sor.u32 $0x6200, s23;
	[tilespmem:s22+$0xF080] =	vst v7  }
0x1b0: {  	s5 =	sor.u32 $0x6200, s24;
	v7 =	vld [tilespmem:s0+$0x0];
	[tilespmem:s24+$0xF080] =	vst v6  }
0x1b1: {  	s6 =	sor.u32 $0x6200, s25;
	v6 =	vld [tilespmem:s5+$0x0];
	[tilespmem:s25+$0xF080] =	vst v4  }
0x1b2: {  	s7 =	sor.u32 $0x6200, s26;
	v4 =	vld [tilespmem:s6+$0x0];
	[tilespmem:s26+$0xF080] =	vst v5  }
0x1b3: {  	v5 =	vld [tilespmem:s7+$0x0];
	_ =	sdelay $0x1  }
0x1b4: {  	[tilespmem:s22+$0xF100] =	vst v7;
	s1 =	sor.u32 $0x6280, s23  }
0x1b5: {  	s9 =	sor.u32 $0x6280, s24;
	v7 =	vld [tilespmem:s1+$0x0];
	[tilespmem:s24+$0xF100] =	vst v6  }
0x1b6: {  	s10 =	sor.u32 $0x6280, s25;
	v6 =	vld [tilespmem:s9+$0x0];
	[tilespmem:s25+$0xF100] =	vst v4  }
0x1b7: {  	s11 =	sor.u32 $0x6280, s26;
	v4 =	vld [tilespmem:s10+$0x0];
	[tilespmem:s26+$0xF100] =	vst v5  }
0x1b8: {  	v5 =	vld [tilespmem:s11+$0x0];
	_ =	sdelay $0x1  }
0x1b9: {  	s2 =	sor.u32 $0x6300, s23;
	[tilespmem:s22+$0xF180] =	vst v7  }
0x1ba: {  	s31 =	sor.u32 $0x6300, s24;
	v7 =	vld [tilespmem:s2+$0x0];
	[tilespmem:s24+$0xF180] =	vst v6  }
0x1bb: {  	s6 =	sor.u32 $0x6300, s25;
	v6 =	vld [tilespmem:s31+$0x0];
	[tilespmem:s25+$0xF180] =	vst v4  }
0x1bc: {  	s7 =	sor.u32 $0x6300, s26;
	v4 =	vld [tilespmem:s6+$0x0];
	[tilespmem:s26+$0xF180] =	vst v5  }
0x1bd: {  	v5 =	vld [tilespmem:s7+$0x0];
	_ =	sdelay $0x1  }
0x1be: {  	[tilespmem:s0+$0x9000] =	vst v7;
	s0 =	sor.u32 $0x6380, s23  }
0x1bf: {  	s9 =	sor.u32 $0x6380, s24;
	v7 =	vld [tilespmem:s0+$0x0];
	[tilespmem:s24+$0xF200] =	vst v6  }
0x1c0: {  	s10 =	sor.u32 $0x6380, s25;
	v6 =	vld [tilespmem:s9+$0x0];
	[tilespmem:s25+$0xF200] =	vst v4  }
0x1c1: {  	s11 =	sor.u32 $0x6380, s26;
	v4 =	vld [tilespmem:s10+$0x0];
	[tilespmem:s26+$0xF200] =	vst v5  }
0x1c2: {  	v5 =	vld [tilespmem:s11+$0x0];
	_ =	sdelay $0x1  }
0x1c3: {  	s31 =	sor.u32 $0x7000, s22;
	[tilespmem:s1+$0x9000] =	vst v7  }
0x1c4: {  	s5 =	sor.u32 $0x7000, s24;
	v7 =	vld [tilespmem:s31+$0x0];
	[tilespmem:s24+$0xF280] =	vst v6  }
0x1c5: {  	s6 =	sor.u32 $0x7000, s25;
	v6 =	vld [tilespmem:s5+$0x0];
	[tilespmem:s25+$0xF280] =	vst v4  }
0x1c6: {  	s7 =	sor.u32 $0x7000, s26;
	v4 =	vld [tilespmem:s6+$0x0];
	[tilespmem:s26+$0xF280] =	vst v5  }
0x1c7: {  	v5 =	vld [tilespmem:s7+$0x0];
	_ =	sdelay $0x1  }
0x1c8: {  	s9 =	sor.u32 $0x7080, s22;
	[tilespmem:s2+$0x9000] =	vst v7  }
0x1c9: {  	s10 =	sor.u32 $0x7080, s24;
	v7 =	vld [tilespmem:s9+$0x0];
	[tilespmem:s24+$0xF300] =	vst v6  }
0x1ca: {  	s11 =	sor.u32 $0x7080, s25;
	v6 =	vld [tilespmem:s10+$0x0];
	[tilespmem:s25+$0xF300] =	vst v4  }
0x1cb: {  	s31 =	sor.u32 $0x7080, s26;
	v4 =	vld [tilespmem:s11+$0x0];
	[tilespmem:s26+$0xF300] =	vst v5  }
0x1cc: {  	v5 =	vld [tilespmem:s31+$0x0];
	_ =	sdelay $0x1  }
0x1cd: {  	s1 =	sor.u32 $0x7100, s22;
	[tilespmem:s0+$0x9000] =	vst v7  }
0x1ce: {  	s2 =	sor.u32 $0x7100, s24;
	v7 =	vld [tilespmem:s1+$0x0];
	[tilespmem:s24+$0xF380] =	vst v6  }
0x1cf: {  	s5 =	sor.u32 $0x7100, s25;
	v6 =	vld [tilespmem:s2+$0x0];
	[tilespmem:s25+$0xF380] =	vst v4  }
0x1d0: {  	s6 =	sor.u32 $0x7100, s26;
	v4 =	vld [tilespmem:s5+$0x0];
	[tilespmem:s26+$0xF380] =	vst v5  }
0x1d1: {  	v5 =	vld [tilespmem:s6+$0x0];
	_ =	sdelay $0x1  }
0x1d2: {  	s7 =	sor.u32 $0x7180, s22;
	[tilespmem:s22+$0x10000] =	vst v7  }
0x1d3: {  	s9 =	sor.u32 $0x7180, s24;
	v7 =	vld [tilespmem:s7+$0x0];
	[tilespmem:s24+$0x10000] =	vst v6  }
0x1d4: {  	s10 =	sor.u32 $0x7180, s25;
	v6 =	vld [tilespmem:s9+$0x0];
	[tilespmem:s25+$0x10000] =	vst v4  }
0x1d5: {  	s11 =	sor.u32 $0x7180, s26;
	v4 =	vld [tilespmem:s10+$0x0];
	[tilespmem:s26+$0x10000] =	vst v5  }
0x1d6: {  	v5 =	vld [tilespmem:s11+$0x0];
	_ =	sdelay $0x1  }
0x1d7: {  	s0 =	sor.u32 $0x7200, s23;
	[tilespmem:s22+$0x10080] =	vst v7  }
0x1d8: {  	s31 =	sor.u32 $0x7200, s24;
	v7 =	vld [tilespmem:s0+$0x0];
	[tilespmem:s24+$0x10080] =	vst v6  }
0x1d9: {  	s2 =	sor.u32 $0x7200, s25;
	v6 =	vld [tilespmem:s31+$0x0];
	[tilespmem:s25+$0x10080] =	vst v4  }
0x1da: {  	s5 =	sor.u32 $0x7200, s26;
	v4 =	vld [tilespmem:s2+$0x0];
	[tilespmem:s26+$0x10080] =	vst v5  }
0x1db: {  	v5 =	vld [tilespmem:s5+$0x0];
	_ =	sdelay $0x1  }
0x1dc: {  	s1 =	sor.u32 $0x7280, s23;
	[tilespmem:s22+$0x10100] =	vst v7  }
0x1dd: {  	s6 =	sor.u32 $0x7280, s24;
	v7 =	vld [tilespmem:s1+$0x0];
	[tilespmem:s24+$0x10100] =	vst v6  }
0x1de: {  	s7 =	sor.u32 $0x7280, s25;
	v6 =	vld [tilespmem:s6+$0x0];
	[tilespmem:s25+$0x10100] =	vst v4  }
0x1df: {  	s9 =	sor.u32 $0x7280, s26;
	v4 =	vld [tilespmem:s7+$0x0];
	[tilespmem:s26+$0x10100] =	vst v5  }
0x1e0: {  	v5 =	vld [tilespmem:s9+$0x0];
	_ =	sdelay $0x1  }
0x1e1: {  	[tilespmem:s22+$0x10180] =	vst v7;
	s2 =	sor.u32 $0x7300, s23  }
0x1e2: {  	s10 =	sor.u32 $0x7300, s24;
	v7 =	vld [tilespmem:s2+$0x0];
	[tilespmem:s24+$0x10180] =	vst v6  }
0x1e3: {  	s11 =	sor.u32 $0x7300, s25;
	v6 =	vld [tilespmem:s10+$0x0];
	[tilespmem:s25+$0x10180] =	vst v4  }
0x1e4: {  	s31 =	sor.u32 $0x7300, s26;
	v4 =	vld [tilespmem:s11+$0x0];
	[tilespmem:s26+$0x10180] =	vst v5  }
0x1e5: {  	v5 =	vld [tilespmem:s31+$0x0];
	_ =	sdelay $0x1  }
0x1e6: {  	[tilespmem:s0+$0x9000] =	vst v7;
	s0 =	sor.u32 $0x7380, s23  }
0x1e7: {  	s6 =	sor.u32 $0x7380, s24;
	v7 =	vld [tilespmem:s0+$0x0];
	[tilespmem:s24+$0x10200] =	vst v6  }
0x1e8: {  	s7 =	sor.u32 $0x7380, s25;
	v6 =	vld [tilespmem:s6+$0x0];
	[tilespmem:s25+$0x10200] =	vst v4  }
0x1e9: {  	s9 =	sor.u32 $0x7380, s26;
	v4 =	vld [tilespmem:s7+$0x0];
	[tilespmem:s26+$0x10200] =	vst v5  }
0x1ea: {  	v5 =	vld [tilespmem:s9+$0x0];
	_ =	sdelay $0x1  }
0x1eb: {  	s10 =	sor.u32 $0x8000, s22;
	[tilespmem:s1+$0x9000] =	vst v7  }
0x1ec: {  	s11 =	sor.u32 $0x8000, s24;
	v7 =	vld [tilespmem:s10+$0x0];
	[tilespmem:s24+$0x10280] =	vst v6  }
0x1ed: {  	s23 =	sor.u32 $0x8000, s25;
	v6 =	vld [tilespmem:s11+$0x0];
	[tilespmem:s25+$0x10280] =	vst v4  }
0x1ee: {  	s31 =	sor.u32 $0x8000, s26;
	v4 =	vld [tilespmem:s23+$0x0];
	[tilespmem:s26+$0x10280] =	vst v5  }
0x1ef: {  	v5 =	vld [tilespmem:s31+$0x0];
	_ =	sdelay $0x1  }
0x1f0: {  	s5 =	sor.u32 $0x8080, s22;
	[tilespmem:s2+$0x9000] =	vst v7  }
0x1f1: {  	s6 =	sor.u32 $0x8080, s24;
	v7 =	vld [tilespmem:s5+$0x0];
	[tilespmem:s24+$0x10300] =	vst v6  }
0x1f2: {  	s7 =	sor.u32 $0x8080, s25;
	v6 =	vld [tilespmem:s6+$0x0];
	[tilespmem:s25+$0x10300] =	vst v4  }
0x1f3: {  	s9 =	sor.u32 $0x8080, s26;
	v4 =	vld [tilespmem:s7+$0x0];
	[tilespmem:s26+$0x10300] =	vst v5  }
0x1f4: {  	v5 =	vld [tilespmem:s9+$0x0]  }
0x1f5: {  	v0 =	vtrunc.f32 v0  }
0x1f6: {  	v0 =	vcvt.f32.s32 v0;
	v1 =	vtrunc.f32 v1;
	s10 =	sor.u32 $0x8100, s22;
	[tilespmem:s0+$0x9000] =	vst v7  }
0x1f7: {  	v1 =	vcvt.f32.s32 v1;
	v3 =	vtrunc.f32 v3;
	s11 =	sor.u32 $0x8100, s24;
	v7 =	vld [tilespmem:s10+$0x0];
	[tilespmem:s24+$0x10380] =	vst v6  }
0x1f8: {  	v0 =	vshll.u32 v0, $0x7;
	v3 =	vcvt.f32.s32 v3;
	v2 =	vtrunc.f32 v34;
	s23 =	sor.u32 $0x8100, s25;
	v6 =	vld [tilespmem:s11+$0x0];
	[tilespmem:s25+$0x10380] =	vst v4  }
0x1f9: {  	v1 =	vshll.u32 v1, $0x7;
	v2 =	vcvt.f32.s32 v2;
	s31 =	sor.u32 $0x8100, s26;
	v4 =	vld [tilespmem:s23+$0x0];
	[tilespmem:s26+$0x10380] =	vst v5  }
0x1fa: {  	v3 =	vshll.u32 v3, $0x7;
	v5 =	vld [tilespmem:s31+$0x0]  }
0x1fb: {  	v2 =	vshll.u32 v2, $0x7  }
0x1fc: {  	[tilespmem:s22+$0x11000] =	vst v7  }
0x1fd: {  	v7 =	vld.idx.msk [tilespmem:v0+s14+$0x0], $0xffff;
	[tilespmem:s24+$0x11000] =	vst v6  }
0x1fe: {  	v35 =	vor.u32 $0x1, v0;
	v8 =	vld.idx.msk [tilespmem:v1+s14+$0x0], $0xffff;
	[tilespmem:s25+$0x11000] =	vst v4  }
0x1ff: {  	v36 =	vor.u32 $0x1, v1;
	v9 =	vld.idx.msk [tilespmem:v3+s14+$0x0], $0xffff;
	[tilespmem:s26+$0x11000] =	vst v5  }
0x200: {  	v37 =	vor.u32 $0x1, v3;
	v10 =	vld.idx.msk [tilespmem:v2+s14+$0x0], $0xffff  }
0x201: {  	v11 =	vor.u32 $0x1, v2  }
0x202: {  	[tilespmem:s22+$0x11080] =	vst v7  }
0x203: {  	v6 =	vld.idx.msk [tilespmem:v35+s14+$0x0], $0xffff;
	[tilespmem:s24+$0x11080] =	vst v8  }
0x204: {  	v38 =	vor.u32 $0x2, v0;
	v4 =	vld.idx.msk [tilespmem:v36+s14+$0x0], $0xffff;
	[tilespmem:s25+$0x11080] =	vst v9  }
0x205: {  	v39 =	vor.u32 $0x2, v1;
	v5 =	vld.idx.msk [tilespmem:v37+s14+$0x0], $0xffff;
	[tilespmem:s26+$0x11080] =	vst v10  }
0x206: {  	v40 =	vor.u32 $0x2, v3;
	v10 =	vld.idx.msk [tilespmem:v11+s14+$0x0], $0xffff  }
0x207: {  	v41 =	vor.u32 $0x2, v2  }
0x208: {  	[tilespmem:s22+$0x11100] =	vst v6  }
0x209: {  	v6 =	vld.idx.msk [tilespmem:v38+s14+$0x0], $0xffff;
	[tilespmem:s24+$0x11100] =	vst v4  }
0x20a: {  	v42 =	vor.u32 $0x3, v0;
	v43 =	vld.idx.msk [tilespmem:v39+s14+$0x0], $0xffff;
	[tilespmem:s25+$0x11100] =	vst v5  }
0x20b: {  	v44 =	vor.u32 $0x3, v1;
	v45 =	vld.idx.msk [tilespmem:v40+s14+$0x0], $0xffff;
	[tilespmem:s26+$0x11100] =	vst v10  }
0x20c: {  	v46 =	vor.u32 $0x3, v3;
	v10 =	vld.idx.msk [tilespmem:v41+s14+$0x0], $0xffff  }
0x20d: {  	v47 =	vor.u32 $0x3, v2  }
0x20e: {  	[tilespmem:s21+$0x11180] =	vst v6  }
0x20f: {  	v4 =	vld.idx.msk [tilespmem:v42+s14+$0x0], $0xffff;
	[tilespmem:s28+$0x11180] =	vst v43  }
0x210: {  	v48 =	vor.u32 $0x4, v0;
	v5 =	vld.idx.msk [tilespmem:v44+s14+$0x0], $0xffff;
	[tilespmem:s29+$0x11180] =	vst v45  }
0x211: {  	v49 =	vor.u32 $0x4, v1;
	v8 =	vld.idx.msk [tilespmem:v46+s14+$0x0], $0xffff;
	[tilespmem:s30+$0x11180] =	vst v10  }
0x212: {  	v50 =	vor.u32 $0x4, v3;
	v10 =	vld.idx.msk [tilespmem:v47+s14+$0x0], $0xffff  }
0x213: {  	v51 =	vor.u32 $0x4, v2  }
0x214: {  	[tilespmem:s21+$0x11200] =	vst v4  }
0x215: {  	v4 =	vld.idx.msk [tilespmem:v48+s14+$0x0], $0xffff;
	[tilespmem:s28+$0x11200] =	vst v5  }
0x216: {  	v52 =	vor.u32 $0x5, v0;
	v53 =	vld.idx.msk [tilespmem:v49+s14+$0x0], $0xffff;
	[tilespmem:s29+$0x11200] =	vst v8  }
0x217: {  	v54 =	vor.u32 $0x5, v1;
	v8 =	vld.idx.msk [tilespmem:v50+s14+$0x0], $0xffff;
	[tilespmem:s30+$0x11200] =	vst v10  }
0x218: {  	v55 =	vor.u32 $0x5, v3;
	v10 =	vld.idx.msk [tilespmem:v51+s14+$0x0], $0xffff  }
0x219: {  	v56 =	vor.u32 $0x5, v2  }
0x21a: {  	[tilespmem:s21+$0x11280] =	vst v4  }
0x21b: {  	v4 =	vld.idx.msk [tilespmem:v52+s14+$0x0], $0xffff;
	[tilespmem:s28+$0x11280] =	vst v53  }
0x21c: {  	v57 =	vor.u32 $0x6, v0;
	v6 =	vld.idx.msk [tilespmem:v54+s14+$0x0], $0xffff;
	[tilespmem:s29+$0x11280] =	vst v8  }
0x21d: {  	v58 =	vor.u32 $0x6, v1;
	v8 =	vld.idx.msk [tilespmem:v55+s14+$0x0], $0xffff;
	[tilespmem:s30+$0x11280] =	vst v10  }
0x21e: {  	v59 =	vor.u32 $0x6, v3;
	v10 =	vld.idx.msk [tilespmem:v56+s14+$0x0], $0xffff  }
0x21f: {  	v60 =	vor.u32 $0x6, v2  }
0x220: {  	[tilespmem:s21+$0x11300] =	vst v4  }
0x221: {  	v4 =	vld.idx.msk [tilespmem:v57+s14+$0x0], $0xffff;
	[tilespmem:s28+$0x11300] =	vst v6  }
0x222: {  	v0 =	vor.u32 $0x7, v0;
	v61 =	vld.idx.msk [tilespmem:v58+s14+$0x0], $0xffff;
	[tilespmem:s29+$0x11300] =	vst v8  }
0x223: {  	v1 =	vor.u32 $0x7, v1;
	[tilespmem:s30+$0x11300] =	vst v10;
	v62 =	vld.idx.msk [tilespmem:v59+s14+$0x0], $0xffff  }
0x224: {  	v3 =	vor.u32 $0x7, v3;
	v63 =	vld.idx.msk [tilespmem:v60+s14+$0x0], $0xffff  }
0x225: {  	v2 =	vor.u32 $0x7, v2  }
0x226: {  	[tilespmem:s21+$0x11380] =	vst v4  }
0x227: {  	v0 =	vld.idx.msk [tilespmem:v0+s14+$0x0], $0xffff;
	[tilespmem:s28+$0x11380] =	vst v61  }
0x228: {  	v1 =	vld.idx.msk [tilespmem:v1+s14+$0x0], $0xffff;
	[tilespmem:s29+$0x11380] =	vst v62  }
0x229: {  	[tilespmem:s30+$0x11380] =	vst v63;
	v3 =	vld.idx.msk [tilespmem:v3+s14+$0x0], $0xffff  }
0x22a: {  	p1 =	por p0, p0;
	v2 =	vld.idx.msk [tilespmem:v2+s14+$0x0], $0xffff  }
.Ltmp0:
0x22b: {  	_ = 	snop;
	(pc) =	sbr.rel @p1 .LBB2_3-.Ltmp0, $4  }
0x22c: {  	[tilespmem:s21+$0x12000] =	vst v0  }
0x22d: {  	[tilespmem:s28+$0x12000] =	vst v1  }
0x22e: {  	[tilespmem:s29+$0x12000] =	vst v3  }
0x22f: {  	p0 =	por $0x0, $0x0;
	s28 =	simm.s32 $0x40;
	[tilespmem:s30+$0x12000] =	vst v2  }
0x230: {  	s0 =	sshll.u32 s19, $0xA  }
0x231: {  	s0 =	sand.u32 $0x3FFFFC00, s0  }
0x232: {  	s2 =	sadd.s32 s20, s8;
	s1 =	sadd.s32 $0x9000, s0  }
0x233: {  	[hbm4b:s2+s3] =	stream.linear.scatter [tilespmem:s1], [sflag:$0x2], $0x400, $0x38;
	[tilespmem:$0x13200] =	vst v63  }
0x234: {  	s5 =	sadd.s32 $0x4000, s2;
	s6 =	sadd.s32 $0xA000, s0  }
0x235: {  	[hbm4b:s5+s3] =	stream.linear.scatter [tilespmem:s6], [sflag:$0x2], $0x400, $0x38;
	[tilespmem:$0x13200] =	vst v63  }
0x236: {  	s9 =	sadd.s32 $0x8000, s2;
	s7 =	sadd.s32 $0xB000, s0  }
0x237: {  	[hbm4b:s9+s3] =	stream.linear.scatter [tilespmem:s7], [sflag:$0x2], $0x400, $0x38;
	[tilespmem:$0x13200] =	vst v63  }
0x238: {  	s11 =	sadd.s32 $0xC000, s2;
	s10 =	sadd.s32 $0xC000, s0  }
0x239: {  	[hbm4b:s11+s3] =	stream.linear.scatter [tilespmem:s10], [sflag:$0x2], $0x400, $0x38;
	[tilespmem:$0x13200] =	vst v63  }
0x23a: {  	s21 =	sadd.s32 $0x10000, s2;
	s20 =	sadd.s32 $0xD000, s0  }
0x23b: {  	[hbm4b:s21+s3] =	stream.linear.scatter [tilespmem:s20], [sflag:$0x2], $0x400, $0x38;
	[tilespmem:$0x13200] =	vst v63  }
0x23c: {  	s23 =	sadd.s32 $0x14000, s2;
	s22 =	sadd.s32 $0xE000, s0  }
0x23d: {  	[hbm4b:s23+s3] =	stream.linear.scatter [tilespmem:s22], [sflag:$0x2], $0x400, $0x38;
	[tilespmem:$0x13200] =	vst v63  }
0x23e: {  	s19 =	sadd.s32 $0x1, s19;
	s25 =	sadd.s32 $0x18000, s2;
	s24 =	sadd.s32 $0xF000, s0  }
0x23f: {  	[hbm4b:s25+s3] =	stream.linear.scatter [tilespmem:s24], [sflag:$0x2], $0x400, $0x38;
	[tilespmem:$0x13200] =	vst v63  }
0x240: {  	s28 =	sadd.s32 $0x1C000, s2;
	p0 =	sne.s32 s19, $0x4;
	s26 =	sadd.s32 $0x10000, s0  }
0x241: {  	[hbm4b:s28+s3] =	stream.linear.scatter [tilespmem:s26], [sflag:$0x2], $0x400, $0x38;
	[tilespmem:$0x13200] =	vst v63  }
.Ltmp1:
0x242: {  	_ = 	snop;
	(pc) =	sbr.rel @p0 .LBB2_2-.Ltmp1, $4  }
0x243: {  	s30 =	sadd.s32 $0x20000, s2;
	s29 =	sadd.s32 $0x11000, s0  }
0x244: {  	[hbm4b:s30+s3] =	stream.linear.scatter [tilespmem:s29], [sflag:$0x2], $0x400, $0x38;
	[tilespmem:$0x13200] =	vst v63  }
0x245: {  	s31 =	sadd.s32 $0x24000, s2;
	s0 =	sadd.s32 $0x12000, s0  }
0x246: {  	[hbm4b:s31+s3] =	stream.linear.scatter [tilespmem:s0], [sflag:$0x2], $0x400, $0x38;
	[tilespmem:$0x13200] =	vst v63  }
0x247: {  	_ =	swait.ge [sflag:s17], $0x2800  }
0x248: {  	[sflag:s17] =	ssyncset.done $0x0  }
0x249: {  	[sflag:s17] =	ssyncadd.s32 $0xFFFFD800  }
0x24a: {  	_ =	swait.ge [sflag:s17], $0x2800  }
0x24b: {  	[sflag:s17] =	ssyncset.done $0x0  }
0x24c: {  	[sflag:s17] =	ssyncadd.s32 $0xFFFFD800  }
0x24d: {  	_ =	swait.ge [sflag:s17], $0x2800  }
0x24e: {  	[sflag:s17] =	ssyncset.done $0x0  }
0x24f: {  	[sflag:s17] =	ssyncadd.s32 $0xFFFFD800  }
0x250: {  	_ =	swait.ge [sflag:s17], $0x2800  }
0x251: {  	s18 =	sadd.s32 $0x1, s18;
	s0 =	rddreg [dreg:$0x7]  }
0x252: {  	p0 =	sne.s32 s18, s0  }
.Ltmp2:
0x253: {  	_ = 	snop;
	(pc) =	sbr.rel @p0 .LBB2_1-.Ltmp2, $3  }
0x254: {  	_ =	sdelay $0x1  }
0x255: {  	[sflag:s17] =	ssyncset.done $0x0  }
0x256: {  	[sflag:s17] =	ssyncadd.s32 $0xFFFFD800  }
0x257: {  	_ =	sfence.sel $0x180000  }
0x258: {  	[bflag:$0x0] =	sbarrier.arrive $0xFFFF  }
0x259: {  	_ =	strace $0x90000047  }
0x25a: {  	s0 =	stileid.u32;
	[bflag:$0x2] =	sbarrier.arrive $0xFFFF  }
0x25b: {  	p0 =	sne.s32 s0, $0x0;
	s0 =	rddreg [dreg:$0x3]  }
0x25c: {  	s0 =	sadd.s32 @!p0 $0x100000, s0  }
0x25d: {  	[sflag:s0] =	ssyncadd.tile.s32 @!p0 $0x1;
	_ =	shalt  }
.Lfunc_end2:
_tile_overlayer_lowered:
.L_overlay_start_2:
0x25e: {  	(tag) =	ssettag $0x2  }
0x25f: {  	s0 =	rddreg [dreg:$0x0];
	s2 =	stileid.u32  }
0x260: {  	s1 =	rddreg [dreg:$0x1];
	p0 =	sne.s32 s2, $0x0  }
0x261: {  	s3 =	rddreg [dreg:$0x2];
	[bflag:$0x3] =	sbarrier.arrive $0xFFFF;
	s2 =	simm.s32 @!p0 $0x1C03  }
0x262: {  	[timem:s3], [sflag:s2] =	dma.local @!p0 [hbm:s0], s1  }
0x263: {  	s0 =	simm.s32 @!p0 $0x3  }
0x264: {  	_ =	swait.ge @!p0 [sflag:s0], s1  }
0x265: {  	s1 =	ssub.s32 @!p0 $0x0, s1;
	[sflag:s0] =	ssyncset.done @!p0 $0x0  }
0x266: {  	[sflag:s0] =	ssyncadd.s32 @!p0 s1  }
0x267: {  	[bflag:$0x3] =	sbarrier.arrive $0xFFFF  }
0x268: {  	_ =	shalt  }

</sc_bundles>
